<compile_context>
chip_gen: v7x
topology: tpu7x:2x2x1
jax: 0.10.2.dev20260603
libtpu: 0.0.44.dev20260713+nightly
codegen_flags: <defaults>
</compile_context>

<pallas_src>
import functools

import jax
import jax.numpy as jnp
from jax import lax
from jax.experimental import pallas as pl
from jax.experimental.pallas import tpu as pltpu
from jax.experimental.pallas import tpu_sc as plsc

N = 10000
E = 320000
D = 128
H = 32
C = 2

NP = 10240
NC = 2
NS = 16
NW = NC * NS
EPW = E // NW
B = 128
CH = -(-EPW // B)
EPWP = CH * B
PAD = NP - 1
RPT = NP // NS

_mesh = plsc.VectorSubcoreMesh(
    core_axis_name="c", subcore_axis_name="s", num_cores=NC, num_subcores=NS)



def _deg_body(srcp, dstp, ones2, zeros8, out, src_v, dst_v, ones_v, deg_sh):
    c = lax.axis_index("c")
    s = lax.axis_index("s")
    wid = c * NS + s
    pltpu.sync_copy(srcp.at[wid], src_v)
    pltpu.sync_copy(dstp.at[wid], dst_v)
    pltpu.sync_copy(ones2, ones_v)
    pltpu.sync_copy(zeros8.at[pl.ds(s * RPT, RPT)], deg_sh.at[pl.ds(s * RPT, RPT)])
    plsc.subcore_barrier()

    def body(j, carry):
        pltpu.sync_copy(ones_v.at[0], deg_sh.at[src_v.at[j]], add=True)
        pltpu.sync_copy(ones_v.at[1], deg_sh.at[dst_v.at[j]], add=True)
        return carry

    lax.fori_loop(0, CH, body, 0)
    plsc.subcore_barrier()
    pltpu.sync_copy(deg_sh.at[pl.ds(s * RPT, RPT)], out.at[c, pl.ds(s * RPT, RPT)])


_deg = functools.partial(
    pl.kernel,
    out_type=jax.ShapeDtypeStruct((NC, NP, 8), jnp.float32),
    mesh=_mesh,
    compiler_params=pltpu.CompilerParams(use_tc_tiling_on_sc=False),
    scratch_types=[
        pltpu.VMEM((CH, B), jnp.int32),
        pltpu.VMEM((CH, B), jnp.int32),
        pltpu.VMEM((2, B, 8), jnp.float32),
        pltpu.VMEM_SHARED((NP, 8), jnp.float32),
    ],
)(_deg_body)


def _conv_body(h, srcp, dstp, zeros32, out, src_v, dst_v, rows_v, agg_sh, sems):
    c = lax.axis_index("c")
    s = lax.axis_index("s")
    wid = c * NS + s
    pltpu.sync_copy(srcp.at[wid], src_v)
    pltpu.sync_copy(dstp.at[wid], dst_v)
    pltpu.sync_copy(zeros32.at[pl.ds(s * RPT, RPT)], agg_sh.at[pl.ds(s * RPT, RPT)])
    plsc.subcore_barrier()

    pltpu.async_copy(h.at[src_v.at[0]], rows_v.at[0], sems.at[0])

    def body(j, carry):
        b = lax.rem(j, 2)
        nb = lax.rem(j + 1, 2)

        @pl.when(j + 1 < CH)
        def _():
            pltpu.async_copy(h.at[src_v.at[j + 1]], rows_v.at[nb], sems.at[nb])

        pltpu.make_async_copy(h.at[src_v.at[j]], rows_v.at[b], sems.at[b]).wait()
        pltpu.sync_copy(rows_v.at[b], agg_sh.at[dst_v.at[j]], add=True)
        return carry

    lax.fori_loop(0, CH, body, 0)
    plsc.subcore_barrier()
    pltpu.sync_copy(agg_sh.at[pl.ds(s * RPT, RPT)], out.at[c, pl.ds(s * RPT, RPT)])


_conv = functools.partial(
    pl.kernel,
    out_type=jax.ShapeDtypeStruct((NC, NP, H), jnp.float32),
    mesh=_mesh,
    compiler_params=pltpu.CompilerParams(use_tc_tiling_on_sc=False),
    scratch_types=[
        pltpu.VMEM((CH, B), jnp.int32),
        pltpu.VMEM((CH, B), jnp.int32),
        pltpu.VMEM((2, B, H), jnp.float32),
        pltpu.VMEM_SHARED((NP, H), jnp.float32),
        pltpu.SemaphoreType.DMA((2,)),
    ],
)(_conv_body)



_BLK = 1024
_GRID = NP // _BLK


def _norms(degp_ref):
    deg = degp_ref[0] + degp_ref[1]
    do_ = deg[:, 0:1]
    di = deg[:, 1:2]
    ns = jnp.where(do_ > 0, lax.rsqrt(jnp.maximum(do_, 1.0)), 0.0)
    nd = jnp.where(di > 0, lax.rsqrt(jnp.maximum(di, 1.0)), 0.0)
    return ns, nd


def _tcA_body(x_ref, w_ref, degp_ref, o_ref):
    ns, _ = _norms(degp_ref)
    o_ref[...] = jnp.dot(x_ref[...], w_ref[...],
                         preferred_element_type=jnp.float32) * ns


def _tcA(x_p, W1, degp):
    return pl.pallas_call(
        _tcA_body,
        grid=(_GRID,),
        in_specs=[
            pl.BlockSpec((_BLK, D), lambda i: (i, 0)),
            pl.BlockSpec((D, H), lambda i: (0, 0)),
            pl.BlockSpec((NC, _BLK, 8), lambda i: (0, i, 0)),
        ],
        out_specs=pl.BlockSpec((_BLK, H), lambda i: (i, 0)),
        out_shape=jax.ShapeDtypeStruct((NP, H), jnp.float32),
    )(x_p, W1, degp)


def _tcB_body(aggp_ref, degp_ref, b_ref, w_ref, o_ref):
    ns, nd = _norms(degp_ref)
    agg = aggp_ref[0] + aggp_ref[1]
    h = jax.nn.relu(agg * nd + b_ref[...])
    o_ref[...] = jnp.dot(h, w_ref[...], preferred_element_type=jnp.float32) * ns


def _tcB(aggp, degp, b1, W2):
    return pl.pallas_call(
        _tcB_body,
        grid=(_GRID,),
        in_specs=[
            pl.BlockSpec((NC, _BLK, H), lambda i: (0, i, 0)),
            pl.BlockSpec((NC, _BLK, 8), lambda i: (0, i, 0)),
            pl.BlockSpec((1, H), lambda i: (0, 0)),
            pl.BlockSpec((H, H), lambda i: (0, 0)),
        ],
        out_specs=pl.BlockSpec((_BLK, H), lambda i: (i, 0)),
        out_shape=jax.ShapeDtypeStruct((NP, H), jnp.float32),
    )(aggp, degp, b1.reshape(1, H), W2)


def _tcC_body(aggp_ref, degp_ref, b_ref, w_ref, bm_ref, o_ref):
    _, nd = _norms(degp_ref)
    agg = aggp_ref[0] + aggp_ref[1]
    h = jax.nn.relu(agg * nd + b_ref[...])
    o_ref[...] = jnp.dot(h, w_ref[...],
                         preferred_element_type=jnp.float32) + bm_ref[...]


def _tcC(aggp, degp, b2, Wm, bm):
    return pl.pallas_call(
        _tcC_body,
        grid=(_GRID,),
        in_specs=[
            pl.BlockSpec((NC, _BLK, H), lambda i: (0, i, 0)),
            pl.BlockSpec((NC, _BLK, 8), lambda i: (0, i, 0)),
            pl.BlockSpec((1, H), lambda i: (0, 0)),
            pl.BlockSpec((H, C), lambda i: (0, 0)),
            pl.BlockSpec((1, C), lambda i: (0, 0)),
        ],
        out_specs=pl.BlockSpec((_BLK, C), lambda i: (i, 0)),
        out_shape=jax.ShapeDtypeStruct((NP, C), jnp.float32),
    )(aggp, degp, b2.reshape(1, H), Wm, bm.reshape(1, C))



def kernel(x, edge_index, W1, b1, W2, b2, Wm, bm):
    src = edge_index[0].reshape(NW, EPW)
    dst = edge_index[1].reshape(NW, EPW)
    padblk = jnp.full((NW, EPWP - EPW), PAD, jnp.int32)
    srcp = jnp.concatenate([src, padblk], axis=1).reshape(NW, CH, B)
    dstp = jnp.concatenate([dst, padblk], axis=1).reshape(NW, CH, B)

    x_p = jnp.pad(x, ((0, NP - N), (0, 0)))
    ones2 = jnp.zeros((2, B, 8), jnp.float32).at[0, :, 0].set(1.0).at[1, :, 1].set(1.0)
    zeros8 = jnp.zeros((NP, 8), jnp.float32)
    zeros32 = jnp.zeros((NP, H), jnp.float32)

    degp = _deg(srcp, dstp, ones2, zeros8)
    h1a = _tcA(x_p, W1, degp)
    agg1 = _conv(h1a, srcp, dstp, zeros32)
    h2a = _tcB(agg1, degp, b1, W2)
    agg2 = _conv(h2a, srcp, dstp, zeros32)
    out = _tcC(agg2, degp, b2, Wm, bm)
    return out[:N]

# --- scband reference (transcript-rebuilt; emitter-appended) ---
"""Pipeline reference for scband-gcn-10273561772520 (READ-ONLY COPY).

The authoritative reference and input builder live on the scoring server;
editing this copy changes nothing except your own understanding.
"""

import jax, jax.numpy as jnp
import numpy as np

N = 10000
E = 320000
D = 128
H = 32
C = 2


def setup_inputs(seed: int = 0) -> dict:
    key = jax.random.key(seed)
    ks = jax.random.split(key, 8)
    x = jax.random.normal(ks[0], (N, D), dtype=jnp.float32)
    edge_index = jax.random.randint(ks[1], (2, E), 0, N, dtype=jnp.int32)
    # GraphConv layer 1: in_feats=128 -> h_feats=32 (glorot-ish init)
    W1 = jax.random.normal(ks[2], (D, H), dtype=jnp.float32) * (1.0 / np.sqrt(D))
    b1 = jnp.zeros((H,), dtype=jnp.float32)
    # GraphConv layer 2: 32 -> 32
    W2 = jax.random.normal(ks[3], (H, H), dtype=jnp.float32) * (1.0 / np.sqrt(H))
    b2 = jnp.zeros((H,), dtype=jnp.float32)
    # MLP (mlp_layers=1): Linear(32 -> 2)
    Wm = jax.random.normal(ks[4], (H, C), dtype=jnp.float32) * (1.0 / np.sqrt(H))
    bm = jnp.zeros((C,), dtype=jnp.float32)
    return {"x": x, "edge_index": edge_index, "W1": W1, "b1": b1, "W2": W2, "b2": b2, "Wm": Wm, "bm": bm}


def _graph_conv(h, W, b, src, dst, n_nodes):
    # DGL GraphConv with norm='both': out = D_in^{-1/2} A D_out^{-1/2} h W + b
    ones = jnp.ones((src.shape[0],), dtype=jnp.float32)
    deg_out = jax.ops.segment_sum(ones, src, num_segments=n_nodes)
    deg_in = jax.ops.segment_sum(ones, dst, num_segments=n_nodes)
    norm_src = jnp.where(deg_out > 0, jax.lax.rsqrt(jnp.maximum(deg_out, 1.0)), 0.0)
    norm_dst = jnp.where(deg_in > 0, jax.lax.rsqrt(jnp.maximum(deg_in, 1.0)), 0.0)
    h = h * norm_src[:, None]
    # in_feats >= out_feats: multiply by W first, then aggregate (DGL order)
    h = h @ W
    msgs = jnp.take(h, src, axis=0)
    agg = jax.ops.segment_sum(msgs, dst, num_segments=n_nodes)
    out = agg * norm_dst[:, None] + b
    return jax.nn.relu(out)


def reference(x, edge_index, W1, b1, W2, b2, Wm, bm):
    src = edge_index[0]
    dst = edge_index[1]
    h = _graph_conv(x, W1, b1, src, dst, N)
    h = _graph_conv(h, W2, b2, src, dst, N)
    # MLP with num_layers=1: single Linear, no activation
    out = h @ Wm + bm
    return out

if __name__ == "__main__":
    import jax
    _d = setup_inputs()
    print(jax.jit(kernel)(*tuple(_d.values())))

</pallas_src>

<mosaic_0001>
#map = affine_map<(d0, d1) -> (0, 0)>
#map1 = affine_map<(d0, d1) -> (0, 0, 0)>
module attributes {stable_mosaic.version = 14 : i64} {
  func.func @_conv_body(%arg0: i32, %arg1: i32, %arg2: memref<10240x32xf32, #tpu.memory_space<hbm>>, %arg3: memref<32x79x128xi32, #tpu.memory_space<hbm>>, %arg4: memref<32x79x128xi32, #tpu.memory_space<hbm>>, %arg5: memref<10240x32xf32, #tpu.memory_space<hbm>>, %arg6: memref<2x10240x32xf32, #tpu.memory_space<hbm>>, %arg7: memref<79x128xi32, #tpu.memory_space<vmem>>, %arg8: memref<79x128xi32, #tpu.memory_space<vmem>>, %arg9: memref<2x128x32xf32, #tpu.memory_space<vmem>>, %arg10: memref<10240x32xf32, #tpu.memory_space<vmem_shared>>, %arg11: memref<2x!tpu.dma_semaphore, #tpu.memory_space<semaphore_mem>>) attributes {dimension_semantics = [#tpu.dimension_semantics<core_parallel>, #tpu.dimension_semantics<subcore_parallel>], iteration_bounds = array<i64: 2, 16>, scalar_prefetch = 0 : i64, scratch_operands = 5 : i64, tpu.core_type = #tpu.core_type<sc_vector_subcore>, window_params = [{transform_indices = #map}, {transform_indices = #map1}, {transform_indices = #map1}, {transform_indices = #map}, {transform_indices = #map1}]} {
    %mul3A = arith.constant 16 : i32
    %mul3A_0 = arith.muli %arg0, %mul3A : i32
    %add3A = arith.addi %mul3A_0, %arg1 : i32
    "tpu.region"() ({
      %run_scoped3A = tpu.sem_alloc : memref<!tpu.dma_semaphore, #tpu.memory_space<semaphore_mem>>
      %dma_start3A_29 = arith.constant 0 : i32
      %dma_start3A_30 = arith.constant 0 : i32
      %dma_start3A_31 = tpu.memref_slice %arg3[%add3A, %dma_start3A_29, %dma_start3A_30] : memref<32x79x128xi32, #tpu.memory_space<hbm>> -> memref<1x79x128xi32, #tpu.memory_space<hbm>>
      %dma_start3A_32 = tpu.memref_squeeze %dma_start3A_31 : memref<1x79x128xi32, #tpu.memory_space<hbm>> -> memref<79x128xi32, #tpu.memory_space<hbm>>
      %dma_start3A_33 = arith.constant 0 : i32
      %dma_start3A_34 = arith.constant 0 : i32
      %dma_start3A_35 = tpu.memref_slice %arg3[%add3A, %dma_start3A_33, %dma_start3A_34] : memref<32x79x128xi32, #tpu.memory_space<hbm>> -> memref<1x79x128xi32, #tpu.memory_space<hbm>>
      %dma_start3A_36 = tpu.memref_squeeze %dma_start3A_35 : memref<1x79x128xi32, #tpu.memory_space<hbm>> -> memref<79x128xi32, #tpu.memory_space<hbm>>
      tpu.enqueue_dma source(%dma_start3A_36 : memref<79x128xi32, #tpu.memory_space<hbm>>) target(%arg7 : memref<79x128xi32, #tpu.memory_space<vmem>>) target_semaphore(%run_scoped3A : memref<!tpu.dma_semaphore, #tpu.memory_space<semaphore_mem>>)
      %dma_wait3A = arith.constant 0 : i32
      %dma_wait3A_37 = arith.constant 0 : i32
      %dma_wait3A_38 = tpu.memref_slice %arg3[%add3A, %dma_wait3A, %dma_wait3A_37] : memref<32x79x128xi32, #tpu.memory_space<hbm>> -> memref<1x79x128xi32, #tpu.memory_space<hbm>>
      %dma_wait3A_39 = tpu.memref_squeeze %dma_wait3A_38 : memref<1x79x128xi32, #tpu.memory_space<hbm>> -> memref<79x128xi32, #tpu.memory_space<hbm>>
      %dma_wait3A_40 = arith.constant 0 : i32
      %dma_wait3A_41 = arith.constant 0 : i32
      %dma_wait3A_42 = tpu.memref_slice %arg3[%add3A, %dma_wait3A_40, %dma_wait3A_41] : memref<32x79x128xi32, #tpu.memory_space<hbm>> -> memref<1x79x128xi32, #tpu.memory_space<hbm>>
      %dma_wait3A_43 = tpu.memref_squeeze %dma_wait3A_42 : memref<1x79x128xi32, #tpu.memory_space<hbm>> -> memref<79x128xi32, #tpu.memory_space<hbm>>
      tpu.wait_dma2 semaphore(%run_scoped3A : memref<!tpu.dma_semaphore, #tpu.memory_space<semaphore_mem>>) src(%dma_wait3A_43 : memref<79x128xi32, #tpu.memory_space<hbm>>) dst(%arg7 : memref<79x128xi32, #tpu.memory_space<vmem>>)
      tpu.yield
    }) : () -> ()
    "tpu.region"() ({
      %run_scoped3A = tpu.sem_alloc : memref<!tpu.dma_semaphore, #tpu.memory_space<semaphore_mem>>
      %dma_start3A_29 = arith.constant 0 : i32
      %dma_start3A_30 = arith.constant 0 : i32
      %dma_start3A_31 = tpu.memref_slice %arg4[%add3A, %dma_start3A_29, %dma_start3A_30] : memref<32x79x128xi32, #tpu.memory_space<hbm>> -> memref<1x79x128xi32, #tpu.memory_space<hbm>>
      %dma_start3A_32 = tpu.memref_squeeze %dma_start3A_31 : memref<1x79x128xi32, #tpu.memory_space<hbm>> -> memref<79x128xi32, #tpu.memory_space<hbm>>
      %dma_start3A_33 = arith.constant 0 : i32
      %dma_start3A_34 = arith.constant 0 : i32
      %dma_start3A_35 = tpu.memref_slice %arg4[%add3A, %dma_start3A_33, %dma_start3A_34] : memref<32x79x128xi32, #tpu.memory_space<hbm>> -> memref<1x79x128xi32, #tpu.memory_space<hbm>>
      %dma_start3A_36 = tpu.memref_squeeze %dma_start3A_35 : memref<1x79x128xi32, #tpu.memory_space<hbm>> -> memref<79x128xi32, #tpu.memory_space<hbm>>
      tpu.enqueue_dma source(%dma_start3A_36 : memref<79x128xi32, #tpu.memory_space<hbm>>) target(%arg8 : memref<79x128xi32, #tpu.memory_space<vmem>>) target_semaphore(%run_scoped3A : memref<!tpu.dma_semaphore, #tpu.memory_space<semaphore_mem>>)
      %dma_wait3A = arith.constant 0 : i32
      %dma_wait3A_37 = arith.constant 0 : i32
      %dma_wait3A_38 = tpu.memref_slice %arg4[%add3A, %dma_wait3A, %dma_wait3A_37] : memref<32x79x128xi32, #tpu.memory_space<hbm>> -> memref<1x79x128xi32, #tpu.memory_space<hbm>>
      %dma_wait3A_39 = tpu.memref_squeeze %dma_wait3A_38 : memref<1x79x128xi32, #tpu.memory_space<hbm>> -> memref<79x128xi32, #tpu.memory_space<hbm>>
      %dma_wait3A_40 = arith.constant 0 : i32
      %dma_wait3A_41 = arith.constant 0 : i32
      %dma_wait3A_42 = tpu.memref_slice %arg4[%add3A, %dma_wait3A_40, %dma_wait3A_41] : memref<32x79x128xi32, #tpu.memory_space<hbm>> -> memref<1x79x128xi32, #tpu.memory_space<hbm>>
      %dma_wait3A_43 = tpu.memref_squeeze %dma_wait3A_42 : memref<1x79x128xi32, #tpu.memory_space<hbm>> -> memref<79x128xi32, #tpu.memory_space<hbm>>
      tpu.wait_dma2 semaphore(%run_scoped3A : memref<!tpu.dma_semaphore, #tpu.memory_space<semaphore_mem>>) src(%dma_wait3A_43 : memref<79x128xi32, #tpu.memory_space<hbm>>) dst(%arg8 : memref<79x128xi32, #tpu.memory_space<vmem>>)
      tpu.yield
    }) : () -> ()
    %mul3A_1 = arith.constant 640 : i32
    %mul3A_2 = arith.muli %arg1, %mul3A_1 : i32
    %mul3A_3 = arith.constant 640 : i32
    %mul3A_4 = arith.muli %arg1, %mul3A_3 : i32
    "tpu.region"() ({
      %run_scoped3A = tpu.sem_alloc : memref<!tpu.dma_semaphore, #tpu.memory_space<semaphore_mem>>
      %dma_start3A_29 = arith.constant 0 : i32
      %dma_start3A_30 = tpu.memref_slice %arg10[%mul3A_4, %dma_start3A_29] : memref<10240x32xf32, #tpu.memory_space<vmem_shared>> -> memref<640x32xf32, #tpu.memory_space<vmem_shared>>
      %dma_start3A_31 = arith.constant 0 : i32
      %dma_start3A_32 = tpu.memref_slice %arg5[%mul3A_2, %dma_start3A_31] : memref<10240x32xf32, #tpu.memory_space<hbm>> -> memref<640x32xf32, #tpu.memory_space<hbm>>
      tpu.enqueue_dma source(%dma_start3A_32 : memref<640x32xf32, #tpu.memory_space<hbm>>) target(%dma_start3A_30 : memref<640x32xf32, #tpu.memory_space<vmem_shared>>) target_semaphore(%run_scoped3A : memref<!tpu.dma_semaphore, #tpu.memory_space<semaphore_mem>>)
      %dma_wait3A = arith.constant 0 : i32
      %dma_wait3A_33 = tpu.memref_slice %arg10[%mul3A_4, %dma_wait3A] : memref<10240x32xf32, #tpu.memory_space<vmem_shared>> -> memref<640x32xf32, #tpu.memory_space<vmem_shared>>
      %dma_wait3A_34 = arith.constant 0 : i32
      %dma_wait3A_35 = tpu.memref_slice %arg5[%mul3A_2, %dma_wait3A_34] : memref<10240x32xf32, #tpu.memory_space<hbm>> -> memref<640x32xf32, #tpu.memory_space<hbm>>
      tpu.wait_dma2 semaphore(%run_scoped3A : memref<!tpu.dma_semaphore, #tpu.memory_space<semaphore_mem>>) src(%dma_wait3A_35 : memref<640x32xf32, #tpu.memory_space<hbm>>) dst(%dma_wait3A_33 : memref<640x32xf32, #tpu.memory_space<vmem_shared>>)
      tpu.yield
    }) : () -> ()
    %barrier3A = arith.constant 0 : index
    tpu.barrier barrier_id(%barrier3A)
    %dma_start3A = arith.constant 0 : i32
    %dma_start3A_5 = arith.constant 0 : i32
    %dma_start3A_6 = arith.constant 0 : i32
    %dma_start3A_7 = arith.constant 0 : i32
    %dma_start3A_8 = arith.constant 0 : i32
    %dma_start3A_9 = tpu.memref_slice %arg9[%dma_start3A_5, %dma_start3A_7, %dma_start3A_8] : memref<2x128x32xf32, #tpu.memory_space<vmem>> -> memref<1x128x32xf32, #tpu.memory_space<vmem>>
    %dma_start3A_10 = tpu.memref_squeeze %dma_start3A_9 : memref<1x128x32xf32, #tpu.memory_space<vmem>> -> memref<128x32xf32, #tpu.memory_space<vmem>>
    %dma_start3A_11 = arith.constant 0 : i32
    %dma_start3A_12 = tpu.memref_slice %arg7[%dma_start3A, %dma_start3A_11] : memref<79x128xi32, #tpu.memory_space<vmem>> -> memref<1x128xi32, #tpu.memory_space<vmem>>
    %dma_start3A_13 = tpu.memref_squeeze %dma_start3A_12 : memref<1x128xi32, #tpu.memory_space<vmem>> -> memref<128xi32, #tpu.memory_space<vmem>>
    %dma_start3A_14 = arith.constant 0 : i32
    %dma_start3A_15 = arith.constant 0 : i32
    %dma_start3A_16 = tpu.memref_slice %arg2[%dma_start3A_14, %dma_start3A_15] : memref<10240x32xf32, #tpu.memory_space<hbm>> -> memref<10240x32xf32, #tpu.memory_space<hbm>>
    %dma_start3A_17 = tpu.memref_slice %arg11[%dma_start3A_6] : memref<2x!tpu.dma_semaphore, #tpu.memory_space<semaphore_mem>> -> memref<1x!tpu.dma_semaphore, #tpu.memory_space<semaphore_mem>>
    %dma_start3A_18 = tpu.memref_squeeze %dma_start3A_17 : memref<1x!tpu.dma_semaphore, #tpu.memory_space<semaphore_mem>> -> memref<!tpu.dma_semaphore, #tpu.memory_space<semaphore_mem>>
    tpu.enqueue_indirect_dma source(%dma_start3A_16 : memref<10240x32xf32, #tpu.memory_space<hbm>>) target(%dma_start3A_10 : memref<128x32xf32, #tpu.memory_space<vmem>>) offsets(%dma_start3A_13 : memref<128xi32, #tpu.memory_space<vmem>>) semaphore(%dma_start3A_18 : memref<!tpu.dma_semaphore, #tpu.memory_space<semaphore_mem>>)
    %scan3A = arith.constant 0 : i32
    %scan3A_19 = arith.constant 0 : i32
    %scan3A_20 = arith.constant 79 : i32
    %scan3A_21 = arith.addi %scan3A_19, %scan3A_20 : i32
    %scan3A_22 = arith.constant 1 : i32
    scf.for %scan3A_29 = %scan3A_19 to %scan3A_21 step %scan3A_22  : i32 {
      %rem3A = arith.constant 2 : i32
      %rem3A_30 = arith.remsi %scan3A_29, %rem3A : i32
      %add3A_31 = arith.constant 1 : i32
      %add3A_32 = arith.addi %scan3A_29, %add3A_31 : i32
      %rem3A_33 = arith.constant 2 : i32
      %rem3A_34 = arith.remsi %add3A_32, %rem3A_33 : i32
      %add3A_35 = arith.constant 1 : i32
      %add3A_36 = arith.addi %scan3A_29, %add3A_35 : i32
      %lt3A = arith.constant 79 : i32
      %lt3A_37 = arith.cmpi slt, %add3A_36, %lt3A : i32
      %convert_element_type3A = arith.extui %lt3A_37 : i1 to i32
      %cond3A = arith.constant 0 : i32
      %cond3A_38 = arith.cmpi ne, %convert_element_type3A, %cond3A : i32
      scf.if %cond3A_38 {
        %add3A_50 = arith.constant 1 : i32
        %add3A_51 = arith.addi %scan3A_29, %add3A_50 : i32
        %dma_start3A_52 = arith.constant 0 : i32
        %dma_start3A_53 = arith.constant 0 : i32
        %dma_start3A_54 = tpu.memref_slice %arg9[%rem3A_34, %dma_start3A_52, %dma_start3A_53] : memref<2x128x32xf32, #tpu.memory_space<vmem>> -> memref<1x128x32xf32, #tpu.memory_space<vmem>>
        %dma_start3A_55 = tpu.memref_squeeze %dma_start3A_54 : memref<1x128x32xf32, #tpu.memory_space<vmem>> -> memref<128x32xf32, #tpu.memory_space<vmem>>
        %dma_start3A_56 = arith.constant 0 : i32
        %dma_start3A_57 = tpu.memref_slice %arg7[%add3A_51, %dma_start3A_56] : memref<79x128xi32, #tpu.memory_space<vmem>> -> memref<1x128xi32, #tpu.memory_space<vmem>>
        %dma_start3A_58 = tpu.memref_squeeze %dma_start3A_57 : memref<1x128xi32, #tpu.memory_space<vmem>> -> memref<128xi32, #tpu.memory_space<vmem>>
        %dma_start3A_59 = arith.constant 0 : i32
        %dma_start3A_60 = arith.constant 0 : i32
        %dma_start3A_61 = tpu.memref_slice %arg2[%dma_start3A_59, %dma_start3A_60] : memref<10240x32xf32, #tpu.memory_space<hbm>> -> memref<10240x32xf32, #tpu.memory_space<hbm>>
        %dma_start3A_62 = tpu.memref_slice %arg11[%rem3A_34] : memref<2x!tpu.dma_semaphore, #tpu.memory_space<semaphore_mem>> -> memref<1x!tpu.dma_semaphore, #tpu.memory_space<semaphore_mem>>
        %dma_start3A_63 = tpu.memref_squeeze %dma_start3A_62 : memref<1x!tpu.dma_semaphore, #tpu.memory_space<semaphore_mem>> -> memref<!tpu.dma_semaphore, #tpu.memory_space<semaphore_mem>>
        tpu.enqueue_indirect_dma source(%dma_start3A_61 : memref<10240x32xf32, #tpu.memory_space<hbm>>) target(%dma_start3A_55 : memref<128x32xf32, #tpu.memory_space<vmem>>) offsets(%dma_start3A_58 : memref<128xi32, #tpu.memory_space<vmem>>) semaphore(%dma_start3A_63 : memref<!tpu.dma_semaphore, #tpu.memory_space<semaphore_mem>>)
      } else {
      }
      %dma_wait3A = arith.constant 0 : i32
      %dma_wait3A_39 = arith.constant 0 : i32
      %dma_wait3A_40 = tpu.memref_slice %arg9[%rem3A_30, %dma_wait3A, %dma_wait3A_39] : memref<2x128x32xf32, #tpu.memory_space<vmem>> -> memref<1x128x32xf32, #tpu.memory_space<vmem>>
      %dma_wait3A_41 = tpu.memref_squeeze %dma_wait3A_40 : memref<1x128x32xf32, #tpu.memory_space<vmem>> -> memref<128x32xf32, #tpu.memory_space<vmem>>
      %dma_wait3A_42 = arith.constant 0 : i32
      %dma_wait3A_43 = tpu.memref_slice %arg7[%scan3A_29, %dma_wait3A_42] : memref<79x128xi32, #tpu.memory_space<vmem>> -> memref<1x128xi32, #tpu.memory_space<vmem>>
      %dma_wait3A_44 = tpu.memref_squeeze %dma_wait3A_43 : memref<1x128xi32, #tpu.memory_space<vmem>> -> memref<128xi32, #tpu.memory_space<vmem>>
      %dma_wait3A_45 = arith.constant 0 : i32
      %dma_wait3A_46 = arith.constant 0 : i32
      %dma_wait3A_47 = tpu.memref_slice %arg2[%dma_wait3A_45, %dma_wait3A_46] : memref<10240x32xf32, #tpu.memory_space<hbm>> -> memref<10240x32xf32, #tpu.memory_space<hbm>>
      %dma_wait3A_48 = tpu.memref_slice %arg11[%rem3A_30] : memref<2x!tpu.dma_semaphore, #tpu.memory_space<semaphore_mem>> -> memref<1x!tpu.dma_semaphore, #tpu.memory_space<semaphore_mem>>
      %dma_wait3A_49 = tpu.memref_squeeze %dma_wait3A_48 : memref<1x!tpu.dma_semaphore, #tpu.memory_space<semaphore_mem>> -> memref<!tpu.dma_semaphore, #tpu.memory_space<semaphore_mem>>
      tpu.wait_indirect_dma semaphore(%dma_wait3A_49 : memref<!tpu.dma_semaphore, #tpu.memory_space<semaphore_mem>>) src(%dma_wait3A_47 : memref<10240x32xf32, #tpu.memory_space<hbm>>) dst(%dma_wait3A_41 : memref<128x32xf32, #tpu.memory_space<vmem>>)
      "tpu.region"() ({
        %run_scoped3A = tpu.sem_alloc : memref<!tpu.dma_semaphore, #tpu.memory_space<semaphore_mem>>
        %dma_start3A_50 = arith.constant 0 : i32
        %dma_start3A_51 = arith.constant 0 : i32
        %dma_start3A_52 = tpu.memref_slice %arg9[%rem3A_30, %dma_start3A_50, %dma_start3A_51] : memref<2x128x32xf32, #tpu.memory_space<vmem>> -> memref<1x128x32xf32, #tpu.memory_space<vmem>>
        %dma_start3A_53 = tpu.memref_squeeze %dma_start3A_52 : memref<1x128x32xf32, #tpu.memory_space<vmem>> -> memref<128x32xf32, #tpu.memory_space<vmem>>
        %dma_start3A_54 = arith.constant 0 : i32
        %dma_start3A_55 = tpu.memref_slice %arg8[%scan3A_29, %dma_start3A_54] : memref<79x128xi32, #tpu.memory_space<vmem>> -> memref<1x128xi32, #tpu.memory_space<vmem>>
        %dma_start3A_56 = tpu.memref_squeeze %dma_start3A_55 : memref<1x128xi32, #tpu.memory_space<vmem>> -> memref<128xi32, #tpu.memory_space<vmem>>
        %dma_start3A_57 = arith.constant 0 : i32
        %dma_start3A_58 = arith.constant 0 : i32
        %dma_start3A_59 = tpu.memref_slice %arg10[%dma_start3A_57, %dma_start3A_58] : memref<10240x32xf32, #tpu.memory_space<vmem_shared>> -> memref<10240x32xf32, #tpu.memory_space<vmem_shared>>
        tpu.enqueue_indirect_dma source(%dma_start3A_53 : memref<128x32xf32, #tpu.memory_space<vmem>>) target(%dma_start3A_59 : memref<10240x32xf32, #tpu.memory_space<vmem_shared>>) offsets(%dma_start3A_56 : memref<128xi32, #tpu.memory_space<vmem>>) semaphore(%run_scoped3A : memref<!tpu.dma_semaphore, #tpu.memory_space<semaphore_mem>>) {add = true}
        %dma_wait3A_60 = arith.constant 0 : i32
        %dma_wait3A_61 = arith.constant 0 : i32
        %dma_wait3A_62 = tpu.memref_slice %arg9[%rem3A_30, %dma_wait3A_60, %dma_wait3A_61] : memref<2x128x32xf32, #tpu.memory_space<vmem>> -> memref<1x128x32xf32, #tpu.memory_space<vmem>>
        %dma_wait3A_63 = tpu.memref_squeeze %dma_wait3A_62 : memref<1x128x32xf32, #tpu.memory_space<vmem>> -> memref<128x32xf32, #tpu.memory_space<vmem>>
        %dma_wait3A_64 = arith.constant 0 : i32
        %dma_wait3A_65 = tpu.memref_slice %arg8[%scan3A_29, %dma_wait3A_64] : memref<79x128xi32, #tpu.memory_space<vmem>> -> memref<1x128xi32, #tpu.memory_space<vmem>>
        %dma_wait3A_66 = tpu.memref_squeeze %dma_wait3A_65 : memref<1x128xi32, #tpu.memory_space<vmem>> -> memref<128xi32, #tpu.memory_space<vmem>>
        %dma_wait3A_67 = arith.constant 0 : i32
        %dma_wait3A_68 = arith.constant 0 : i32
        %dma_wait3A_69 = tpu.memref_slice %arg10[%dma_wait3A_67, %dma_wait3A_68] : memref<10240x32xf32, #tpu.memory_space<vmem_shared>> -> memref<10240x32xf32, #tpu.memory_space<vmem_shared>>
        tpu.wait_indirect_dma semaphore(%run_scoped3A : memref<!tpu.dma_semaphore, #tpu.memory_space<semaphore_mem>>) src(%dma_wait3A_63 : memref<128x32xf32, #tpu.memory_space<vmem>>) dst(%dma_wait3A_69 : memref<10240x32xf32, #tpu.memory_space<vmem_shared>>)
        tpu.yield
      }) : () -> ()
    }
    %scan3A_23 = arith.constant 79 : i32
    %barrier3A_24 = arith.constant 0 : index
    tpu.barrier barrier_id(%barrier3A_24)
    %mul3A_25 = arith.constant 640 : i32
    %mul3A_26 = arith.muli %arg1, %mul3A_25 : i32
    %mul3A_27 = arith.constant 640 : i32
    %mul3A_28 = arith.muli %arg1, %mul3A_27 : i32
    "tpu.region"() ({
      %run_scoped3A = tpu.sem_alloc : memref<!tpu.dma_semaphore, #tpu.memory_space<semaphore_mem>>
      %dma_start3A_29 = arith.constant 0 : i32
      %dma_start3A_30 = tpu.memref_slice %arg6[%arg0, %mul3A_28, %dma_start3A_29] : memref<2x10240x32xf32, #tpu.memory_space<hbm>> -> memref<1x640x32xf32, #tpu.memory_space<hbm>>
      %dma_start3A_31 = tpu.memref_squeeze %dma_start3A_30 : memref<1x640x32xf32, #tpu.memory_space<hbm>> -> memref<640x32xf32, #tpu.memory_space<hbm>>
      %dma_start3A_32 = arith.constant 0 : i32
      %dma_start3A_33 = tpu.memref_slice %arg10[%mul3A_26, %dma_start3A_32] : memref<10240x32xf32, #tpu.memory_space<vmem_shared>> -> memref<640x32xf32, #tpu.memory_space<vmem_shared>>
      tpu.enqueue_dma source(%dma_start3A_33 : memref<640x32xf32, #tpu.memory_space<vmem_shared>>) target(%dma_start3A_31 : memref<640x32xf32, #tpu.memory_space<hbm>>) target_semaphore(%run_scoped3A : memref<!tpu.dma_semaphore, #tpu.memory_space<semaphore_mem>>)
      %dma_wait3A = arith.constant 0 : i32
      %dma_wait3A_34 = tpu.memref_slice %arg6[%arg0, %mul3A_28, %dma_wait3A] : memref<2x10240x32xf32, #tpu.memory_space<hbm>> -> memref<1x640x32xf32, #tpu.memory_space<hbm>>
      %dma_wait3A_35 = tpu.memref_squeeze %dma_wait3A_34 : memref<1x640x32xf32, #tpu.memory_space<hbm>> -> memref<640x32xf32, #tpu.memory_space<hbm>>
      %dma_wait3A_36 = arith.constant 0 : i32
      %dma_wait3A_37 = tpu.memref_slice %arg10[%mul3A_26, %dma_wait3A_36] : memref<10240x32xf32, #tpu.memory_space<vmem_shared>> -> memref<640x32xf32, #tpu.memory_space<vmem_shared>>
      tpu.wait_dma2 semaphore(%run_scoped3A : memref<!tpu.dma_semaphore, #tpu.memory_space<semaphore_mem>>) src(%dma_wait3A_37 : memref<640x32xf32, #tpu.memory_space<vmem_shared>>) dst(%dma_wait3A_35 : memref<640x32xf32, #tpu.memory_space<hbm>>)
      tpu.yield
    }) : () -> ()
    return
  }
}

#map = affine_map<(d0, d1) -> (0, 0)>
#map1 = affine_map<(d0, d1) -> (0, 0, 0)>
module attributes {stable_mosaic.version = 14 : i64} {
  func.func @_conv_body(%arg0: i32, %arg1: i32, %arg2: memref<10240x32xf32, #tpu.memory_space<hbm>>, %arg3: memref<32x79x128xi32, #tpu.memory_space<hbm>>, %arg4: memref<32x79x128xi32, #tpu.memory_space<hbm>>, %arg5: memref<10240x32xf32, #tpu.memory_space<hbm>>, %arg6: memref<2x10240x32xf32, #tpu.memory_space<hbm>>, %arg7: memref<79x128xi32, #tpu.memory_space<vmem>>, %arg8: memref<79x128xi32, #tpu.memory_space<vmem>>, %arg9: memref<2x128x32xf32, #tpu.memory_space<vmem>>, %arg10: memref<10240x32xf32, #tpu.memory_space<vmem_shared>>, %arg11: memref<2x!tpu.dma_semaphore, #tpu.memory_space<semaphore_mem>>) attributes {dimension_semantics = [#tpu.dimension_semantics<core_parallel>, #tpu.dimension_semantics<subcore_parallel>], iteration_bounds = array<i64: 2, 16>, scalar_prefetch = 0 : i64, scratch_operands = 5 : i64, tpu.core_type = #tpu.core_type<sc_vector_subcore>, window_params = [{transform_indices = #map}, {transform_indices = #map1}, {transform_indices = #map1}, {transform_indices = #map}, {transform_indices = #map1}]} {
    %mul3A = arith.constant 16 : i32
    %mul3A_0 = arith.muli %arg0, %mul3A : i32
    %add3A = arith.addi %mul3A_0, %arg1 : i32
    "tpu.region"() ({
      %run_scoped3A = tpu.sem_alloc : memref<!tpu.dma_semaphore, #tpu.memory_space<semaphore_mem>>
      %dma_start3A_29 = arith.constant 0 : i32
      %dma_start3A_30 = arith.constant 0 : i32
      %dma_start3A_31 = tpu.memref_slice %arg3[%add3A, %dma_start3A_29, %dma_start3A_30] : memref<32x79x128xi32, #tpu.memory_space<hbm>> -> memref<1x79x128xi32, #tpu.memory_space<hbm>>
      %dma_start3A_32 = tpu.memref_squeeze %dma_start3A_31 : memref<1x79x128xi32, #tpu.memory_space<hbm>> -> memref<79x128xi32, #tpu.memory_space<hbm>>
      %dma_start3A_33 = arith.constant 0 : i32
      %dma_start3A_34 = arith.constant 0 : i32
      %dma_start3A_35 = tpu.memref_slice %arg3[%add3A, %dma_start3A_33, %dma_start3A_34] : memref<32x79x128xi32, #tpu.memory_space<hbm>> -> memref<1x79x128xi32, #tpu.memory_space<hbm>>
      %dma_start3A_36 = tpu.memref_squeeze %dma_start3A_35 : memref<1x79x128xi32, #tpu.memory_space<hbm>> -> memref<79x128xi32, #tpu.memory_space<hbm>>
      tpu.enqueue_dma source(%dma_start3A_36 : memref<79x128xi32, #tpu.memory_space<hbm>>) target(%arg7 : memref<79x128xi32, #tpu.memory_space<vmem>>) target_semaphore(%run_scoped3A : memref<!tpu.dma_semaphore, #tpu.memory_space<semaphore_mem>>)
      %dma_wait3A = arith.constant 0 : i32
      %dma_wait3A_37 = arith.constant 0 : i32
      %dma_wait3A_38 = tpu.memref_slice %arg3[%add3A, %dma_wait3A, %dma_wait3A_37] : memref<32x79x128xi32, #tpu.memory_space<hbm>> -> memref<1x79x128xi32, #tpu.memory_space<hbm>>
      %dma_wait3A_39 = tpu.memref_squeeze %dma_wait3A_38 : memref<1x79x128xi32, #tpu.memory_space<hbm>> -> memref<79x128xi32, #tpu.memory_space<hbm>>
      %dma_wait3A_40 = arith.constant 0 : i32
      %dma_wait3A_41 = arith.constant 0 : i32
      %dma_wait3A_42 = tpu.memref_slice %arg3[%add3A, %dma_wait3A_40, %dma_wait3A_41] : memref<32x79x128xi32, #tpu.memory_space<hbm>> -> memref<1x79x128xi32, #tpu.memory_space<hbm>>
      %dma_wait3A_43 = tpu.memref_squeeze %dma_wait3A_42 : memref<1x79x128xi32, #tpu.memory_space<hbm>> -> memref<79x128xi32, #tpu.memory_space<hbm>>
      tpu.wait_dma2 semaphore(%run_scoped3A : memref<!tpu.dma_semaphore, #tpu.memory_space<semaphore_mem>>) src(%dma_wait3A_43 : memref<79x128xi32, #tpu.memory_space<hbm>>) dst(%arg7 : memref<79x128xi32, #tpu.memory_space<vmem>>)
      tpu.yield
    }) : () -> ()
    "tpu.region"() ({
      %run_scoped3A = tpu.sem_alloc : memref<!tpu.dma_semaphore, #tpu.memory_space<semaphore_mem>>
      %dma_start3A_29 = arith.constant 0 : i32
      %dma_start3A_30 = arith.constant 0 : i32
      %dma_start3A_31 = tpu.memref_slice %arg4[%add3A, %dma_start3A_29, %dma_start3A_30] : memref<32x79x128xi32, #tpu.memory_space<hbm>> -> memref<1x79x128xi32, #tpu.memory_space<hbm>>
      %dma_start3A_32 = tpu.memref_squeeze %dma_start3A_31 : memref<1x79x128xi32, #tpu.memory_space<hbm>> -> memref<79x128xi32, #tpu.memory_space<hbm>>
      %dma_start3A_33 = arith.constant 0 : i32
      %dma_start3A_34 = arith.constant 0 : i32
      %dma_start3A_35 = tpu.memref_slice %arg4[%add3A, %dma_start3A_33, %dma_start3A_34] : memref<32x79x128xi32, #tpu.memory_space<hbm>> -> memref<1x79x128xi32, #tpu.memory_space<hbm>>
      %dma_start3A_36 = tpu.memref_squeeze %dma_start3A_35 : memref<1x79x128xi32, #tpu.memory_space<hbm>> -> memref<79x128xi32, #tpu.memory_space<hbm>>
      tpu.enqueue_dma source(%dma_start3A_36 : memref<79x128xi32, #tpu.memory_space<hbm>>) target(%arg8 : memref<79x128xi32, #tpu.memory_space<vmem>>) target_semaphore(%run_scoped3A : memref<!tpu.dma_semaphore, #tpu.memory_space<semaphore_mem>>)
      %dma_wait3A = arith.constant 0 : i32
      %dma_wait3A_37 = arith.constant 0 : i32
      %dma_wait3A_38 = tpu.memref_slice %arg4[%add3A, %dma_wait3A, %dma_wait3A_37] : memref<32x79x128xi32, #tpu.memory_space<hbm>> -> memref<1x79x128xi32, #tpu.memory_space<hbm>>
      %dma_wait3A_39 = tpu.memref_squeeze %dma_wait3A_38 : memref<1x79x128xi32, #tpu.memory_space<hbm>> -> memref<79x128xi32, #tpu.memory_space<hbm>>
      %dma_wait3A_40 = arith.constant 0 : i32
      %dma_wait3A_41 = arith.constant 0 : i32
      %dma_wait3A_42 = tpu.memref_slice %arg4[%add3A, %dma_wait3A_40, %dma_wait3A_41] : memref<32x79x128xi32, #tpu.memory_space<hbm>> -> memref<1x79x128xi32, #tpu.memory_space<hbm>>
      %dma_wait3A_43 = tpu.memref_squeeze %dma_wait3A_42 : memref<1x79x128xi32, #tpu.memory_space<hbm>> -> memref<79x128xi32, #tpu.memory_space<hbm>>
      tpu.wait_dma2 semaphore(%run_scoped3A : memref<!tpu.dma_semaphore, #tpu.memory_space<semaphore_mem>>) src(%dma_wait3A_43 : memref<79x128xi32, #tpu.memory_space<hbm>>) dst(%arg8 : memref<79x128xi32, #tpu.memory_space<vmem>>)
      tpu.yield
    }) : () -> ()
    %mul3A_1 = arith.constant 640 : i32
    %mul3A_2 = arith.muli %arg1, %mul3A_1 : i32
    %mul3A_3 = arith.constant 640 : i32
    %mul3A_4 = arith.muli %arg1, %mul3A_3 : i32
    "tpu.region"() ({
      %run_scoped3A = tpu.sem_alloc : memref<!tpu.dma_semaphore, #tpu.memory_space<semaphore_mem>>
      %dma_start3A_29 = arith.constant 0 : i32
      %dma_start3A_30 = tpu.memref_slice %arg10[%mul3A_4, %dma_start3A_29] : memref<10240x32xf32, #tpu.memory_space<vmem_shared>> -> memref<640x32xf32, #tpu.memory_space<vmem_shared>>
      %dma_start3A_31 = arith.constant 0 : i32
      %dma_start3A_32 = tpu.memref_slice %arg5[%mul3A_2, %dma_start3A_31] : memref<10240x32xf32, #tpu.memory_space<hbm>> -> memref<640x32xf32, #tpu.memory_space<hbm>>
      tpu.enqueue_dma source(%dma_start3A_32 : memref<640x32xf32, #tpu.memory_space<hbm>>) target(%dma_start3A_30 : memref<640x32xf32, #tpu.memory_space<vmem_shared>>) target_semaphore(%run_scoped3A : memref<!tpu.dma_semaphore, #tpu.memory_space<semaphore_mem>>)
      %dma_wait3A = arith.constant 0 : i32
      %dma_wait3A_33 = tpu.memref_slice %arg10[%mul3A_4, %dma_wait3A] : memref<10240x32xf32, #tpu.memory_space<vmem_shared>> -> memref<640x32xf32, #tpu.memory_space<vmem_shared>>
      %dma_wait3A_34 = arith.constant 0 : i32
      %dma_wait3A_35 = tpu.memref_slice %arg5[%mul3A_2, %dma_wait3A_34] : memref<10240x32xf32, #tpu.memory_space<hbm>> -> memref<640x32xf32, #tpu.memory_space<hbm>>
      tpu.wait_dma2 semaphore(%run_scoped3A : memref<!tpu.dma_semaphore, #tpu.memory_space<semaphore_mem>>) src(%dma_wait3A_35 : memref<640x32xf32, #tpu.memory_space<hbm>>) dst(%dma_wait3A_33 : memref<640x32xf32, #tpu.memory_space<vmem_shared>>)
      tpu.yield
    }) : () -> ()
    %barrier3A = arith.constant 0 : index
    tpu.barrier barrier_id(%barrier3A)
    %dma_start3A = arith.constant 0 : i32
    %dma_start3A_5 = arith.constant 0 : i32
    %dma_start3A_6 = arith.constant 0 : i32
    %dma_start3A_7 = arith.constant 0 : i32
    %dma_start3A_8 = arith.constant 0 : i32
    %dma_start3A_9 = tpu.memref_slice %arg9[%dma_start3A_5, %dma_start3A_7, %dma_start3A_8] : memref<2x128x32xf32, #tpu.memory_space<vmem>> -> memref<1x128x32xf32, #tpu.memory_space<vmem>>
    %dma_start3A_10 = tpu.memref_squeeze %dma_start3A_9 : memref<1x128x32xf32, #tpu.memory_space<vmem>> -> memref<128x32xf32, #tpu.memory_space<vmem>>
    %dma_start3A_11 = arith.constant 0 : i32
    %dma_start3A_12 = tpu.memref_slice %arg7[%dma_start3A, %dma_start3A_11] : memref<79x128xi32, #tpu.memory_space<vmem>> -> memref<1x128xi32, #tpu.memory_space<vmem>>
    %dma_start3A_13 = tpu.memref_squeeze %dma_start3A_12 : memref<1x128xi32, #tpu.memory_space<vmem>> -> memref<128xi32, #tpu.memory_space<vmem>>
    %dma_start3A_14 = arith.constant 0 : i32
    %dma_start3A_15 = arith.constant 0 : i32
    %dma_start3A_16 = tpu.memref_slice %arg2[%dma_start3A_14, %dma_start3A_15] : memref<10240x32xf32, #tpu.memory_space<hbm>> -> memref<10240x32xf32, #tpu.memory_space<hbm>>
    %dma_start3A_17 = tpu.memref_slice %arg11[%dma_start3A_6] : memref<2x!tpu.dma_semaphore, #tpu.memory_space<semaphore_mem>> -> memref<1x!tpu.dma_semaphore, #tpu.memory_space<semaphore_mem>>
    %dma_start3A_18 = tpu.memref_squeeze %dma_start3A_17 : memref<1x!tpu.dma_semaphore, #tpu.memory_space<semaphore_mem>> -> memref<!tpu.dma_semaphore, #tpu.memory_space<semaphore_mem>>
    tpu.enqueue_indirect_dma source(%dma_start3A_16 : memref<10240x32xf32, #tpu.memory_space<hbm>>) target(%dma_start3A_10 : memref<128x32xf32, #tpu.memory_space<vmem>>) offsets(%dma_start3A_13 : memref<128xi32, #tpu.memory_space<vmem>>) semaphore(%dma_start3A_18 : memref<!tpu.dma_semaphore, #tpu.memory_space<semaphore_mem>>)
    %scan3A = arith.constant 0 : i32
    %scan3A_19 = arith.constant 0 : i32
    %scan3A_20 = arith.constant 79 : i32
    %scan3A_21 = arith.addi %scan3A_19, %scan3A_20 : i32
    %scan3A_22 = arith.constant 1 : i32
    scf.for %scan3A_29 = %scan3A_19 to %scan3A_21 step %scan3A_22  : i32 {
      %rem3A = arith.constant 2 : i32
      %rem3A_30 = arith.remsi %scan3A_29, %rem3A : i32
      %add3A_31 = arith.constant 1 : i32
      %add3A_32 = arith.addi %scan3A_29, %add3A_31 : i32
      %rem3A_33 = arith.constant 2 : i32
      %rem3A_34 = arith.remsi %add3A_32, %rem3A_33 : i32
      %add3A_35 = arith.constant 1 : i32
      %add3A_36 = arith.addi %scan3A_29, %add3A_35 : i32
      %lt3A = arith.constant 79 : i32
      %lt3A_37 = arith.cmpi slt, %add3A_36, %lt3A : i32
      %convert_element_type3A = arith.extui %lt3A_37 : i1 to i32
      %cond3A = arith.constant 0 : i32
      %cond3A_38 = arith.cmpi ne, %convert_element_type3A, %cond3A : i32
      scf.if %cond3A_38 {
        %add3A_50 = arith.constant 1 : i32
        %add3A_51 = arith.addi %scan3A_29, %add3A_50 : i32
        %dma_start3A_52 = arith.constant 0 : i32
        %dma_start3A_53 = arith.constant 0 : i32
        %dma_start3A_54 = tpu.memref_slice %arg9[%rem3A_34, %dma_start3A_52, %dma_start3A_53] : memref<2x128x32xf32, #tpu.memory_space<vmem>> -> memref<1x128x32xf32, #tpu.memory_space<vmem>>
        %dma_start3A_55 = tpu.memref_squeeze %dma_start3A_54 : memref<1x128x32xf32, #tpu.memory_space<vmem>> -> memref<128x32xf32, #tpu.memory_space<vmem>>
        %dma_start3A_56 = arith.constant 0 : i32
        %dma_start3A_57 = tpu.memref_slice %arg7[%add3A_51, %dma_start3A_56] : memref<79x128xi32, #tpu.memory_space<vmem>> -> memref<1x128xi32, #tpu.memory_space<vmem>>
        %dma_start3A_58 = tpu.memref_squeeze %dma_start3A_57 : memref<1x128xi32, #tpu.memory_space<vmem>> -> memref<128xi32, #tpu.memory_space<vmem>>
        %dma_start3A_59 = arith.constant 0 : i32
        %dma_start3A_60 = arith.constant 0 : i32
        %dma_start3A_61 = tpu.memref_slice %arg2[%dma_start3A_59, %dma_start3A_60] : memref<10240x32xf32, #tpu.memory_space<hbm>> -> memref<10240x32xf32, #tpu.memory_space<hbm>>
        %dma_start3A_62 = tpu.memref_slice %arg11[%rem3A_34] : memref<2x!tpu.dma_semaphore, #tpu.memory_space<semaphore_mem>> -> memref<1x!tpu.dma_semaphore, #tpu.memory_space<semaphore_mem>>
        %dma_start3A_63 = tpu.memref_squeeze %dma_start3A_62 : memref<1x!tpu.dma_semaphore, #tpu.memory_space<semaphore_mem>> -> memref<!tpu.dma_semaphore, #tpu.memory_space<semaphore_mem>>
        tpu.enqueue_indirect_dma source(%dma_start3A_61 : memref<10240x32xf32, #tpu.memory_space<hbm>>) target(%dma_start3A_55 : memref<128x32xf32, #tpu.memory_space<vmem>>) offsets(%dma_start3A_58 : memref<128xi32, #tpu.memory_space<vmem>>) semaphore(%dma_start3A_63 : memref<!tpu.dma_semaphore, #tpu.memory_space<semaphore_mem>>)
      } else {
      }
      %dma_wait3A = arith.constant 0 : i32
      %dma_wait3A_39 = arith.constant 0 : i32
      %dma_wait3A_40 = tpu.memref_slice %arg9[%rem3A_30, %dma_wait3A, %dma_wait3A_39] : memref<2x128x32xf32, #tpu.memory_space<vmem>> -> memref<1x128x32xf32, #tpu.memory_space<vmem>>
      %dma_wait3A_41 = tpu.memref_squeeze %dma_wait3A_40 : memref<1x128x32xf32, #tpu.memory_space<vmem>> -> memref<128x32xf32, #tpu.memory_space<vmem>>
      %dma_wait3A_42 = arith.constant 0 : i32
      %dma_wait3A_43 = tpu.memref_slice %arg7[%scan3A_29, %dma_wait3A_42] : memref<79x128xi32, #tpu.memory_space<vmem>> -> memref<1x128xi32, #tpu.memory_space<vmem>>
      %dma_wait3A_44 = tpu.memref_squeeze %dma_wait3A_43 : memref<1x128xi32, #tpu.memory_space<vmem>> -> memref<128xi32, #tpu.memory_space<vmem>>
      %dma_wait3A_45 = arith.constant 0 : i32
      %dma_wait3A_46 = arith.constant 0 : i32
      %dma_wait3A_47 = tpu.memref_slice %arg2[%dma_wait3A_45, %dma_wait3A_46] : memref<10240x32xf32, #tpu.memory_space<hbm>> -> memref<10240x32xf32, #tpu.memory_space<hbm>>
      %dma_wait3A_48 = tpu.memref_slice %arg11[%rem3A_30] : memref<2x!tpu.dma_semaphore, #tpu.memory_space<semaphore_mem>> -> memref<1x!tpu.dma_semaphore, #tpu.memory_space<semaphore_mem>>
      %dma_wait3A_49 = tpu.memref_squeeze %dma_wait3A_48 : memref<1x!tpu.dma_semaphore, #tpu.memory_space<semaphore_mem>> -> memref<!tpu.dma_semaphore, #tpu.memory_space<semaphore_mem>>
      tpu.wait_indirect_dma semaphore(%dma_wait3A_49 : memref<!tpu.dma_semaphore, #tpu.memory_space<semaphore_mem>>) src(%dma_wait3A_47 : memref<10240x32xf32, #tpu.memory_space<hbm>>) dst(%dma_wait3A_41 : memref<128x32xf32, #tpu.memory_space<vmem>>)
      "tpu.region"() ({
        %run_scoped3A = tpu.sem_alloc : memref<!tpu.dma_semaphore, #tpu.memory_space<semaphore_mem>>
        %dma_start3A_50 = arith.constant 0 : i32
        %dma_start3A_51 = arith.constant 0 : i32
        %dma_start3A_52 = tpu.memref_slice %arg9[%rem3A_30, %dma_start3A_50, %dma_start3A_51] : memref<2x128x32xf32, #tpu.memory_space<vmem>> -> memref<1x128x32xf32, #tpu.memory_space<vmem>>
        %dma_start3A_53 = tpu.memref_squeeze %dma_start3A_52 : memref<1x128x32xf32, #tpu.memory_space<vmem>> -> memref<128x32xf32, #tpu.memory_space<vmem>>
        %dma_start3A_54 = arith.constant 0 : i32
        %dma_start3A_55 = tpu.memref_slice %arg8[%scan3A_29, %dma_start3A_54] : memref<79x128xi32, #tpu.memory_space<vmem>> -> memref<1x128xi32, #tpu.memory_space<vmem>>
        %dma_start3A_56 = tpu.memref_squeeze %dma_start3A_55 : memref<1x128xi32, #tpu.memory_space<vmem>> -> memref<128xi32, #tpu.memory_space<vmem>>
        %dma_start3A_57 = arith.constant 0 : i32
        %dma_start3A_58 = arith.constant 0 : i32
        %dma_start3A_59 = tpu.memref_slice %arg10[%dma_start3A_57, %dma_start3A_58] : memref<10240x32xf32, #tpu.memory_space<vmem_shared>> -> memref<10240x32xf32, #tpu.memory_space<vmem_shared>>
        tpu.enqueue_indirect_dma source(%dma_start3A_53 : memref<128x32xf32, #tpu.memory_space<vmem>>) target(%dma_start3A_59 : memref<10240x32xf32, #tpu.memory_space<vmem_shared>>) offsets(%dma_start3A_56 : memref<128xi32, #tpu.memory_space<vmem>>) semaphore(%run_scoped3A : memref<!tpu.dma_semaphore, #tpu.memory_space<semaphore_mem>>) {add = true}
        %dma_wait3A_60 = arith.constant 0 : i32
        %dma_wait3A_61 = arith.constant 0 : i32
        %dma_wait3A_62 = tpu.memref_slice %arg9[%rem3A_30, %dma_wait3A_60, %dma_wait3A_61] : memref<2x128x32xf32, #tpu.memory_space<vmem>> -> memref<1x128x32xf32, #tpu.memory_space<vmem>>
        %dma_wait3A_63 = tpu.memref_squeeze %dma_wait3A_62 : memref<1x128x32xf32, #tpu.memory_space<vmem>> -> memref<128x32xf32, #tpu.memory_space<vmem>>
        %dma_wait3A_64 = arith.constant 0 : i32
        %dma_wait3A_65 = tpu.memref_slice %arg8[%scan3A_29, %dma_wait3A_64] : memref<79x128xi32, #tpu.memory_space<vmem>> -> memref<1x128xi32, #tpu.memory_space<vmem>>
        %dma_wait3A_66 = tpu.memref_squeeze %dma_wait3A_65 : memref<1x128xi32, #tpu.memory_space<vmem>> -> memref<128xi32, #tpu.memory_space<vmem>>
        %dma_wait3A_67 = arith.constant 0 : i32
        %dma_wait3A_68 = arith.constant 0 : i32
        %dma_wait3A_69 = tpu.memref_slice %arg10[%dma_wait3A_67, %dma_wait3A_68] : memref<10240x32xf32, #tpu.memory_space<vmem_shared>> -> memref<10240x32xf32, #tpu.memory_space<vmem_shared>>
        tpu.wait_indirect_dma semaphore(%run_scoped3A : memref<!tpu.dma_semaphore, #tpu.memory_space<semaphore_mem>>) src(%dma_wait3A_63 : memref<128x32xf32, #tpu.memory_space<vmem>>) dst(%dma_wait3A_69 : memref<10240x32xf32, #tpu.memory_space<vmem_shared>>)
        tpu.yield
      }) : () -> ()
    }
    %scan3A_23 = arith.constant 79 : i32
    %barrier3A_24 = arith.constant 0 : index
    tpu.barrier barrier_id(%barrier3A_24)
    %mul3A_25 = arith.constant 640 : i32
    %mul3A_26 = arith.muli %arg1, %mul3A_25 : i32
    %mul3A_27 = arith.constant 640 : i32
    %mul3A_28 = arith.muli %arg1, %mul3A_27 : i32
    "tpu.region"() ({
      %run_scoped3A = tpu.sem_alloc : memref<!tpu.dma_semaphore, #tpu.memory_space<semaphore_mem>>
      %dma_start3A_29 = arith.constant 0 : i32
      %dma_start3A_30 = tpu.memref_slice %arg6[%arg0, %mul3A_28, %dma_start3A_29] : memref<2x10240x32xf32, #tpu.memory_space<hbm>> -> memref<1x640x32xf32, #tpu.memory_space<hbm>>
      %dma_start3A_31 = tpu.memref_squeeze %dma_start3A_30 : memref<1x640x32xf32, #tpu.memory_space<hbm>> -> memref<640x32xf32, #tpu.memory_space<hbm>>
      %dma_start3A_32 = arith.constant 0 : i32
      %dma_start3A_33 = tpu.memref_slice %arg10[%mul3A_26, %dma_start3A_32] : memref<10240x32xf32, #tpu.memory_space<vmem_shared>> -> memref<640x32xf32, #tpu.memory_space<vmem_shared>>
      tpu.enqueue_dma source(%dma_start3A_33 : memref<640x32xf32, #tpu.memory_space<vmem_shared>>) target(%dma_start3A_31 : memref<640x32xf32, #tpu.memory_space<hbm>>) target_semaphore(%run_scoped3A : memref<!tpu.dma_semaphore, #tpu.memory_space<semaphore_mem>>)
      %dma_wait3A = arith.constant 0 : i32
      %dma_wait3A_34 = tpu.memref_slice %arg6[%arg0, %mul3A_28, %dma_wait3A] : memref<2x10240x32xf32, #tpu.memory_space<hbm>> -> memref<1x640x32xf32, #tpu.memory_space<hbm>>
      %dma_wait3A_35 = tpu.memref_squeeze %dma_wait3A_34 : memref<1x640x32xf32, #tpu.memory_space<hbm>> -> memref<640x32xf32, #tpu.memory_space<hbm>>
      %dma_wait3A_36 = arith.constant 0 : i32
      %dma_wait3A_37 = tpu.memref_slice %arg10[%mul3A_26, %dma_wait3A_36] : memref<10240x32xf32, #tpu.memory_space<vmem_shared>> -> memref<640x32xf32, #tpu.memory_space<vmem_shared>>
      tpu.wait_dma2 semaphore(%run_scoped3A : memref<!tpu.dma_semaphore, #tpu.memory_space<semaphore_mem>>) src(%dma_wait3A_37 : memref<640x32xf32, #tpu.memory_space<vmem_shared>>) dst(%dma_wait3A_35 : memref<640x32xf32, #tpu.memory_space<hbm>>)
      tpu.yield
    }) : () -> ()
    return
  }
}

#map = affine_map<(d0, d1) -> (0, 0, 0)>
#map1 = affine_map<(d0, d1) -> (0, 0)>
module attributes {stable_mosaic.version = 14 : i64} {
  func.func @_deg_body(%arg0: i32, %arg1: i32, %arg2: memref<32x79x128xi32, #tpu.memory_space<hbm>>, %arg3: memref<32x79x128xi32, #tpu.memory_space<hbm>>, %arg4: memref<2x128x8xf32, #tpu.memory_space<hbm>>, %arg5: memref<10240x8xf32, #tpu.memory_space<hbm>>, %arg6: memref<2x10240x8xf32, #tpu.memory_space<hbm>>, %arg7: memref<79x128xi32, #tpu.memory_space<vmem>>, %arg8: memref<79x128xi32, #tpu.memory_space<vmem>>, %arg9: memref<2x128x8xf32, #tpu.memory_space<vmem>>, %arg10: memref<10240x8xf32, #tpu.memory_space<vmem_shared>>) attributes {dimension_semantics = [#tpu.dimension_semantics<core_parallel>, #tpu.dimension_semantics<subcore_parallel>], iteration_bounds = array<i64: 2, 16>, scalar_prefetch = 0 : i64, scratch_operands = 4 : i64, tpu.core_type = #tpu.core_type<sc_vector_subcore>, window_params = [{transform_indices = #map}, {transform_indices = #map}, {transform_indices = #map}, {transform_indices = #map1}, {transform_indices = #map}]} {
    %mul3A = arith.constant 16 : i32
    %mul3A_0 = arith.muli %arg0, %mul3A : i32
    %add3A = arith.addi %mul3A_0, %arg1 : i32
    "tpu.region"() ({
      %run_scoped3A = tpu.sem_alloc : memref<!tpu.dma_semaphore, #tpu.memory_space<semaphore_mem>>
      %dma_start3A = arith.constant 0 : i32
      %dma_start3A_15 = arith.constant 0 : i32
      %dma_start3A_16 = tpu.memref_slice %arg2[%add3A, %dma_start3A, %dma_start3A_15] : memref<32x79x128xi32, #tpu.memory_space<hbm>> -> memref<1x79x128xi32, #tpu.memory_space<hbm>>
      %dma_start3A_17 = tpu.memref_squeeze %dma_start3A_16 : memref<1x79x128xi32, #tpu.memory_space<hbm>> -> memref<79x128xi32, #tpu.memory_space<hbm>>
      %dma_start3A_18 = arith.constant 0 : i32
      %dma_start3A_19 = arith.constant 0 : i32
      %dma_start3A_20 = tpu.memref_slice %arg2[%add3A, %dma_start3A_18, %dma_start3A_19] : memref<32x79x128xi32, #tpu.memory_space<hbm>> -> memref<1x79x128xi32, #tpu.memory_space<hbm>>
      %dma_start3A_21 = tpu.memref_squeeze %dma_start3A_20 : memref<1x79x128xi32, #tpu.memory_space<hbm>> -> memref<79x128xi32, #tpu.memory_space<hbm>>
      tpu.enqueue_dma source(%dma_start3A_21 : memref<79x128xi32, #tpu.memory_space<hbm>>) target(%arg7 : memref<79x128xi32, #tpu.memory_space<vmem>>) target_semaphore(%run_scoped3A : memref<!tpu.dma_semaphore, #tpu.memory_space<semaphore_mem>>)
      %dma_wait3A = arith.constant 0 : i32
      %dma_wait3A_22 = arith.constant 0 : i32
      %dma_wait3A_23 = tpu.memref_slice %arg2[%add3A, %dma_wait3A, %dma_wait3A_22] : memref<32x79x128xi32, #tpu.memory_space<hbm>> -> memref<1x79x128xi32, #tpu.memory_space<hbm>>
      %dma_wait3A_24 = tpu.memref_squeeze %dma_wait3A_23 : memref<1x79x128xi32, #tpu.memory_space<hbm>> -> memref<79x128xi32, #tpu.memory_space<hbm>>
      %dma_wait3A_25 = arith.constant 0 : i32
      %dma_wait3A_26 = arith.constant 0 : i32
      %dma_wait3A_27 = tpu.memref_slice %arg2[%add3A, %dma_wait3A_25, %dma_wait3A_26] : memref<32x79x128xi32, #tpu.memory_space<hbm>> -> memref<1x79x128xi32, #tpu.memory_space<hbm>>
      %dma_wait3A_28 = tpu.memref_squeeze %dma_wait3A_27 : memref<1x79x128xi32, #tpu.memory_space<hbm>> -> memref<79x128xi32, #tpu.memory_space<hbm>>
      tpu.wait_dma2 semaphore(%run_scoped3A : memref<!tpu.dma_semaphore, #tpu.memory_space<semaphore_mem>>) src(%dma_wait3A_28 : memref<79x128xi32, #tpu.memory_space<hbm>>) dst(%arg7 : memref<79x128xi32, #tpu.memory_space<vmem>>)
      tpu.yield
    }) : () -> ()
    "tpu.region"() ({
      %run_scoped3A = tpu.sem_alloc : memref<!tpu.dma_semaphore, #tpu.memory_space<semaphore_mem>>
      %dma_start3A = arith.constant 0 : i32
      %dma_start3A_15 = arith.constant 0 : i32
      %dma_start3A_16 = tpu.memref_slice %arg3[%add3A, %dma_start3A, %dma_start3A_15] : memref<32x79x128xi32, #tpu.memory_space<hbm>> -> memref<1x79x128xi32, #tpu.memory_space<hbm>>
      %dma_start3A_17 = tpu.memref_squeeze %dma_start3A_16 : memref<1x79x128xi32, #tpu.memory_space<hbm>> -> memref<79x128xi32, #tpu.memory_space<hbm>>
      %dma_start3A_18 = arith.constant 0 : i32
      %dma_start3A_19 = arith.constant 0 : i32
      %dma_start3A_20 = tpu.memref_slice %arg3[%add3A, %dma_start3A_18, %dma_start3A_19] : memref<32x79x128xi32, #tpu.memory_space<hbm>> -> memref<1x79x128xi32, #tpu.memory_space<hbm>>
      %dma_start3A_21 = tpu.memref_squeeze %dma_start3A_20 : memref<1x79x128xi32, #tpu.memory_space<hbm>> -> memref<79x128xi32, #tpu.memory_space<hbm>>
      tpu.enqueue_dma source(%dma_start3A_21 : memref<79x128xi32, #tpu.memory_space<hbm>>) target(%arg8 : memref<79x128xi32, #tpu.memory_space<vmem>>) target_semaphore(%run_scoped3A : memref<!tpu.dma_semaphore, #tpu.memory_space<semaphore_mem>>)
      %dma_wait3A = arith.constant 0 : i32
      %dma_wait3A_22 = arith.constant 0 : i32
      %dma_wait3A_23 = tpu.memref_slice %arg3[%add3A, %dma_wait3A, %dma_wait3A_22] : memref<32x79x128xi32, #tpu.memory_space<hbm>> -> memref<1x79x128xi32, #tpu.memory_space<hbm>>
      %dma_wait3A_24 = tpu.memref_squeeze %dma_wait3A_23 : memref<1x79x128xi32, #tpu.memory_space<hbm>> -> memref<79x128xi32, #tpu.memory_space<hbm>>
      %dma_wait3A_25 = arith.constant 0 : i32
      %dma_wait3A_26 = arith.constant 0 : i32
      %dma_wait3A_27 = tpu.memref_slice %arg3[%add3A, %dma_wait3A_25, %dma_wait3A_26] : memref<32x79x128xi32, #tpu.memory_space<hbm>> -> memref<1x79x128xi32, #tpu.memory_space<hbm>>
      %dma_wait3A_28 = tpu.memref_squeeze %dma_wait3A_27 : memref<1x79x128xi32, #tpu.memory_space<hbm>> -> memref<79x128xi32, #tpu.memory_space<hbm>>
      tpu.wait_dma2 semaphore(%run_scoped3A : memref<!tpu.dma_semaphore, #tpu.memory_space<semaphore_mem>>) src(%dma_wait3A_28 : memref<79x128xi32, #tpu.memory_space<hbm>>) dst(%arg8 : memref<79x128xi32, #tpu.memory_space<vmem>>)
      tpu.yield
    }) : () -> ()
    "tpu.region"() ({
      %run_scoped3A = tpu.sem_alloc : memref<!tpu.dma_semaphore, #tpu.memory_space<semaphore_mem>>
      tpu.enqueue_dma source(%arg4 : memref<2x128x8xf32, #tpu.memory_space<hbm>>) target(%arg9 : memref<2x128x8xf32, #tpu.memory_space<vmem>>) target_semaphore(%run_scoped3A : memref<!tpu.dma_semaphore, #tpu.memory_space<semaphore_mem>>)
      tpu.wait_dma2 semaphore(%run_scoped3A : memref<!tpu.dma_semaphore, #tpu.memory_space<semaphore_mem>>) src(%arg4 : memref<2x128x8xf32, #tpu.memory_space<hbm>>) dst(%arg9 : memref<2x128x8xf32, #tpu.memory_space<vmem>>)
      tpu.yield
    }) : () -> ()
    %mul3A_1 = arith.constant 640 : i32
    %mul3A_2 = arith.muli %arg1, %mul3A_1 : i32
    %mul3A_3 = arith.constant 640 : i32
    %mul3A_4 = arith.muli %arg1, %mul3A_3 : i32
    "tpu.region"() ({
      %run_scoped3A = tpu.sem_alloc : memref<!tpu.dma_semaphore, #tpu.memory_space<semaphore_mem>>
      %dma_start3A = arith.constant 0 : i32
      %dma_start3A_15 = tpu.memref_slice %arg10[%mul3A_4, %dma_start3A] : memref<10240x8xf32, #tpu.memory_space<vmem_shared>> -> memref<640x8xf32, #tpu.memory_space<vmem_shared>>
      %dma_start3A_16 = arith.constant 0 : i32
      %dma_start3A_17 = tpu.memref_slice %arg5[%mul3A_2, %dma_start3A_16] : memref<10240x8xf32, #tpu.memory_space<hbm>> -> memref<640x8xf32, #tpu.memory_space<hbm>>
      tpu.enqueue_dma source(%dma_start3A_17 : memref<640x8xf32, #tpu.memory_space<hbm>>) target(%dma_start3A_15 : memref<640x8xf32, #tpu.memory_space<vmem_shared>>) target_semaphore(%run_scoped3A : memref<!tpu.dma_semaphore, #tpu.memory_space<semaphore_mem>>)
      %dma_wait3A = arith.constant 0 : i32
      %dma_wait3A_18 = tpu.memref_slice %arg10[%mul3A_4, %dma_wait3A] : memref<10240x8xf32, #tpu.memory_space<vmem_shared>> -> memref<640x8xf32, #tpu.memory_space<vmem_shared>>
      %dma_wait3A_19 = arith.constant 0 : i32
      %dma_wait3A_20 = tpu.memref_slice %arg5[%mul3A_2, %dma_wait3A_19] : memref<10240x8xf32, #tpu.memory_space<hbm>> -> memref<640x8xf32, #tpu.memory_space<hbm>>
      tpu.wait_dma2 semaphore(%run_scoped3A : memref<!tpu.dma_semaphore, #tpu.memory_space<semaphore_mem>>) src(%dma_wait3A_20 : memref<640x8xf32, #tpu.memory_space<hbm>>) dst(%dma_wait3A_18 : memref<640x8xf32, #tpu.memory_space<vmem_shared>>)
      tpu.yield
    }) : () -> ()
    %barrier3A = arith.constant 0 : index
    tpu.barrier barrier_id(%barrier3A)
    %scan3A = arith.constant 0 : i32
    %scan3A_5 = arith.constant 0 : i32
    %scan3A_6 = arith.constant 79 : i32
    %scan3A_7 = arith.addi %scan3A_5, %scan3A_6 : i32
    %scan3A_8 = arith.constant 1 : i32
    scf.for %scan3A_15 = %scan3A_5 to %scan3A_7 step %scan3A_8  : i32 {
      %run_scoped3A = arith.constant 0 : i32
      "tpu.region"() ({
        %run_scoped3A_17 = tpu.sem_alloc : memref<!tpu.dma_semaphore, #tpu.memory_space<semaphore_mem>>
        %dma_start3A = arith.constant 0 : i32
        %dma_start3A_18 = arith.constant 0 : i32
        %dma_start3A_19 = tpu.memref_slice %arg9[%run_scoped3A, %dma_start3A, %dma_start3A_18] : memref<2x128x8xf32, #tpu.memory_space<vmem>> -> memref<1x128x8xf32, #tpu.memory_space<vmem>>
        %dma_start3A_20 = tpu.memref_squeeze %dma_start3A_19 : memref<1x128x8xf32, #tpu.memory_space<vmem>> -> memref<128x8xf32, #tpu.memory_space<vmem>>
        %dma_start3A_21 = arith.constant 0 : i32
        %dma_start3A_22 = tpu.memref_slice %arg7[%scan3A_15, %dma_start3A_21] : memref<79x128xi32, #tpu.memory_space<vmem>> -> memref<1x128xi32, #tpu.memory_space<vmem>>
        %dma_start3A_23 = tpu.memref_squeeze %dma_start3A_22 : memref<1x128xi32, #tpu.memory_space<vmem>> -> memref<128xi32, #tpu.memory_space<vmem>>
        %dma_start3A_24 = arith.constant 0 : i32
        %dma_start3A_25 = arith.constant 0 : i32
        %dma_start3A_26 = tpu.memref_slice %arg10[%dma_start3A_24, %dma_start3A_25] : memref<10240x8xf32, #tpu.memory_space<vmem_shared>> -> memref<10240x8xf32, #tpu.memory_space<vmem_shared>>
        tpu.enqueue_indirect_dma source(%dma_start3A_20 : memref<128x8xf32, #tpu.memory_space<vmem>>) target(%dma_start3A_26 : memref<10240x8xf32, #tpu.memory_space<vmem_shared>>) offsets(%dma_start3A_23 : memref<128xi32, #tpu.memory_space<vmem>>) semaphore(%run_scoped3A_17 : memref<!tpu.dma_semaphore, #tpu.memory_space<semaphore_mem>>) {add = true}
        %dma_wait3A = arith.constant 0 : i32
        %dma_wait3A_27 = arith.constant 0 : i32
        %dma_wait3A_28 = tpu.memref_slice %arg9[%run_scoped3A, %dma_wait3A, %dma_wait3A_27] : memref<2x128x8xf32, #tpu.memory_space<vmem>> -> memref<1x128x8xf32, #tpu.memory_space<vmem>>
        %dma_wait3A_29 = tpu.memref_squeeze %dma_wait3A_28 : memref<1x128x8xf32, #tpu.memory_space<vmem>> -> memref<128x8xf32, #tpu.memory_space<vmem>>
        %dma_wait3A_30 = arith.constant 0 : i32
        %dma_wait3A_31 = tpu.memref_slice %arg7[%scan3A_15, %dma_wait3A_30] : memref<79x128xi32, #tpu.memory_space<vmem>> -> memref<1x128xi32, #tpu.memory_space<vmem>>
        %dma_wait3A_32 = tpu.memref_squeeze %dma_wait3A_31 : memref<1x128xi32, #tpu.memory_space<vmem>> -> memref<128xi32, #tpu.memory_space<vmem>>
        %dma_wait3A_33 = arith.constant 0 : i32
        %dma_wait3A_34 = arith.constant 0 : i32
        %dma_wait3A_35 = tpu.memref_slice %arg10[%dma_wait3A_33, %dma_wait3A_34] : memref<10240x8xf32, #tpu.memory_space<vmem_shared>> -> memref<10240x8xf32, #tpu.memory_space<vmem_shared>>
        tpu.wait_indirect_dma semaphore(%run_scoped3A_17 : memref<!tpu.dma_semaphore, #tpu.memory_space<semaphore_mem>>) src(%dma_wait3A_29 : memref<128x8xf32, #tpu.memory_space<vmem>>) dst(%dma_wait3A_35 : memref<10240x8xf32, #tpu.memory_space<vmem_shared>>)
        tpu.yield
      }) : () -> ()
      %run_scoped3A_16 = arith.constant 1 : i32
      "tpu.region"() ({
        %run_scoped3A_17 = tpu.sem_alloc : memref<!tpu.dma_semaphore, #tpu.memory_space<semaphore_mem>>
        %dma_start3A = arith.constant 0 : i32
        %dma_start3A_18 = arith.constant 0 : i32
        %dma_start3A_19 = tpu.memref_slice %arg9[%run_scoped3A_16, %dma_start3A, %dma_start3A_18] : memref<2x128x8xf32, #tpu.memory_space<vmem>> -> memref<1x128x8xf32, #tpu.memory_space<vmem>>
        %dma_start3A_20 = tpu.memref_squeeze %dma_start3A_19 : memref<1x128x8xf32, #tpu.memory_space<vmem>> -> memref<128x8xf32, #tpu.memory_space<vmem>>
        %dma_start3A_21 = arith.constant 0 : i32
        %dma_start3A_22 = tpu.memref_slice %arg8[%scan3A_15, %dma_start3A_21] : memref<79x128xi32, #tpu.memory_space<vmem>> -> memref<1x128xi32, #tpu.memory_space<vmem>>
        %dma_start3A_23 = tpu.memref_squeeze %dma_start3A_22 : memref<1x128xi32, #tpu.memory_space<vmem>> -> memref<128xi32, #tpu.memory_space<vmem>>
        %dma_start3A_24 = arith.constant 0 : i32
        %dma_start3A_25 = arith.constant 0 : i32
        %dma_start3A_26 = tpu.memref_slice %arg10[%dma_start3A_24, %dma_start3A_25] : memref<10240x8xf32, #tpu.memory_space<vmem_shared>> -> memref<10240x8xf32, #tpu.memory_space<vmem_shared>>
        tpu.enqueue_indirect_dma source(%dma_start3A_20 : memref<128x8xf32, #tpu.memory_space<vmem>>) target(%dma_start3A_26 : memref<10240x8xf32, #tpu.memory_space<vmem_shared>>) offsets(%dma_start3A_23 : memref<128xi32, #tpu.memory_space<vmem>>) semaphore(%run_scoped3A_17 : memref<!tpu.dma_semaphore, #tpu.memory_space<semaphore_mem>>) {add = true}
        %dma_wait3A = arith.constant 0 : i32
        %dma_wait3A_27 = arith.constant 0 : i32
        %dma_wait3A_28 = tpu.memref_slice %arg9[%run_scoped3A_16, %dma_wait3A, %dma_wait3A_27] : memref<2x128x8xf32, #tpu.memory_space<vmem>> -> memref<1x128x8xf32, #tpu.memory_space<vmem>>
        %dma_wait3A_29 = tpu.memref_squeeze %dma_wait3A_28 : memref<1x128x8xf32, #tpu.memory_space<vmem>> -> memref<128x8xf32, #tpu.memory_space<vmem>>
        %dma_wait3A_30 = arith.constant 0 : i32
        %dma_wait3A_31 = tpu.memref_slice %arg8[%scan3A_15, %dma_wait3A_30] : memref<79x128xi32, #tpu.memory_space<vmem>> -> memref<1x128xi32, #tpu.memory_space<vmem>>
        %dma_wait3A_32 = tpu.memref_squeeze %dma_wait3A_31 : memref<1x128xi32, #tpu.memory_space<vmem>> -> memref<128xi32, #tpu.memory_space<vmem>>
        %dma_wait3A_33 = arith.constant 0 : i32
        %dma_wait3A_34 = arith.constant 0 : i32
        %dma_wait3A_35 = tpu.memref_slice %arg10[%dma_wait3A_33, %dma_wait3A_34] : memref<10240x8xf32, #tpu.memory_space<vmem_shared>> -> memref<10240x8xf32, #tpu.memory_space<vmem_shared>>
        tpu.wait_indirect_dma semaphore(%run_scoped3A_17 : memref<!tpu.dma_semaphore, #tpu.memory_space<semaphore_mem>>) src(%dma_wait3A_29 : memref<128x8xf32, #tpu.memory_space<vmem>>) dst(%dma_wait3A_35 : memref<10240x8xf32, #tpu.memory_space<vmem_shared>>)
        tpu.yield
      }) : () -> ()
    }
    %scan3A_9 = arith.constant 79 : i32
    %barrier3A_10 = arith.constant 0 : index
    tpu.barrier barrier_id(%barrier3A_10)
    %mul3A_11 = arith.constant 640 : i32
    %mul3A_12 = arith.muli %arg1, %mul3A_11 : i32
    %mul3A_13 = arith.constant 640 : i32
    %mul3A_14 = arith.muli %arg1, %mul3A_13 : i32
    "tpu.region"() ({
      %run_scoped3A = tpu.sem_alloc : memref<!tpu.dma_semaphore, #tpu.memory_space<semaphore_mem>>
      %dma_start3A = arith.constant 0 : i32
      %dma_start3A_15 = tpu.memref_slice %arg6[%arg0, %mul3A_14, %dma_start3A] : memref<2x10240x8xf32, #tpu.memory_space<hbm>> -> memref<1x640x8xf32, #tpu.memory_space<hbm>>
      %dma_start3A_16 = tpu.memref_squeeze %dma_start3A_15 : memref<1x640x8xf32, #tpu.memory_space<hbm>> -> memref<640x8xf32, #tpu.memory_space<hbm>>
      %dma_start3A_17 = arith.constant 0 : i32
      %dma_start3A_18 = tpu.memref_slice %arg10[%mul3A_12, %dma_start3A_17] : memref<10240x8xf32, #tpu.memory_space<vmem_shared>> -> memref<640x8xf32, #tpu.memory_space<vmem_shared>>
      tpu.enqueue_dma source(%dma_start3A_18 : memref<640x8xf32, #tpu.memory_space<vmem_shared>>) target(%dma_start3A_16 : memref<640x8xf32, #tpu.memory_space<hbm>>) target_semaphore(%run_scoped3A : memref<!tpu.dma_semaphore, #tpu.memory_space<semaphore_mem>>)
      %dma_wait3A = arith.constant 0 : i32
      %dma_wait3A_19 = tpu.memref_slice %arg6[%arg0, %mul3A_14, %dma_wait3A] : memref<2x10240x8xf32, #tpu.memory_space<hbm>> -> memref<1x640x8xf32, #tpu.memory_space<hbm>>
      %dma_wait3A_20 = tpu.memref_squeeze %dma_wait3A_19 : memref<1x640x8xf32, #tpu.memory_space<hbm>> -> memref<640x8xf32, #tpu.memory_space<hbm>>
      %dma_wait3A_21 = arith.constant 0 : i32
      %dma_wait3A_22 = tpu.memref_slice %arg10[%mul3A_12, %dma_wait3A_21] : memref<10240x8xf32, #tpu.memory_space<vmem_shared>> -> memref<640x8xf32, #tpu.memory_space<vmem_shared>>
      tpu.wait_dma2 semaphore(%run_scoped3A : memref<!tpu.dma_semaphore, #tpu.memory_space<semaphore_mem>>) src(%dma_wait3A_22 : memref<640x8xf32, #tpu.memory_space<vmem_shared>>) dst(%dma_wait3A_20 : memref<640x8xf32, #tpu.memory_space<hbm>>)
      tpu.yield
    }) : () -> ()
    return
  }
}

module attributes {stable_mosaic.version = 14 : i64} {
  func.func @_tcA_body(%arg0: i32, %arg1: memref<1024x128xf32, #tpu.memory_space<vmem>>, %arg2: memref<128x32xf32, #tpu.memory_space<vmem>>, %arg3: memref<2x1024x8xf32, #tpu.memory_space<vmem>>, %arg4: memref<1024x32xf32, #tpu.memory_space<vmem>>) attributes {dimension_semantics = [#tpu.dimension_semantics<arbitrary>], iteration_bounds = array<i64: 10>, scalar_prefetch = 0 : i64, scratch_operands = 0 : i64, tpu.core_type = #tpu.core_type<tc>, window_params = [{transform_indices = @transform_0, window_bounds = array<i64: 1024, 128>}, {pipeline_mode = #tpu.pipeline_mode<synchronous>, transform_indices = @transform_1, window_bounds = array<i64: 128, 32>}, {transform_indices = @transform_2, window_bounds = array<i64: 2, 1024, 8>}, {transform_indices = @transform_3, window_bounds = array<i64: 1024, 32>}]} {
    %get3A = arith.constant 0 : index
    %get3A_0 = arith.constant 0 : index
    %get3A_1 = arith.constant 0 : index
    %get3A_2 = vector.load %arg3[%get3A, %get3A_0, %get3A_1] : memref<2x1024x8xf32, #tpu.memory_space<vmem>>, vector<1x1024x8xf32>
    %get3A_3 = vector.shape_cast %get3A_2 : vector<1x1024x8xf32> to vector<1024x8xf32>
    %get3A_4 = arith.constant 1 : index
    %get3A_5 = arith.constant 0 : index
    %get3A_6 = arith.constant 0 : index
    %get3A_7 = vector.load %arg3[%get3A_4, %get3A_5, %get3A_6] : memref<2x1024x8xf32, #tpu.memory_space<vmem>>, vector<1x1024x8xf32>
    %get3A_8 = vector.shape_cast %get3A_7 : vector<1x1024x8xf32> to vector<1024x8xf32>
    %add3A = arith.addf %get3A_3, %get3A_8 : vector<1024x8xf32>
    %slice3A = vector.extract_strided_slice %add3A {offsets = [0, 0], sizes = [1024, 1], strides = [1, 1]} : vector<1024x8xf32> to vector<1024x1xf32>
    %gt3A = arith.constant 0.000000e+00 : f32
    %gt3A_9 = vector.broadcast %gt3A : f32 to vector<1024x1xf32>
    %gt3A_10 = arith.cmpf ogt, %slice3A, %gt3A_9 : vector<1024x1xf32>
    %max3A = arith.constant 1.000000e+00 : f32
    %max3A_11 = vector.broadcast %max3A : f32 to vector<1024x1xf32>
    %max3A_12 = arith.maximumf %slice3A, %max3A_11 : vector<1024x1xf32>
    %rsqrt3A = math.rsqrt %max3A_12 : vector<1024x1xf32>
    %jit3A = arith.constant 0.000000e+00 : f32
    %broadcast_in_dim3A = vector.broadcast %jit3A : f32 to vector<1024x1xf32>
    %select_n3A = arith.select %gt3A_10, %rsqrt3A, %broadcast_in_dim3A : vector<1024x1xi1>, vector<1024x1xf32>
    %get3A_13 = arith.constant 0 : index
    %get3A_14 = arith.constant 0 : index
    %get3A_15 = vector.load %arg1[%get3A_13, %get3A_14] : memref<1024x128xf32, #tpu.memory_space<vmem>>, vector<1024x128xf32>
    %get3A_16 = arith.constant 0 : index
    %get3A_17 = arith.constant 0 : index
    %get3A_18 = vector.load %arg2[%get3A_16, %get3A_17] : memref<128x32xf32, #tpu.memory_space<vmem>>, vector<128x32xf32>
    %dot_general3A = arith.constant dense<0.000000e+00> : vector<1024x32xf32>
    %dot_general3A_19 = tpu.matmul %get3A_15, %get3A_18, %dot_general3A {dimension_numbers = #tpu.dot_dimension_numbers<[1], [0], [0], [1], [0, 0, 1, 1], [], []>, transpose_lhs_hint = false} : vector<1024x128xf32>, vector<128x32xf32>, vector<1024x32xf32> -> vector<1024x32xf32>
    %mul3A = vector.broadcast %select_n3A : vector<1024x1xf32> to vector<1024x32xf32>
    %mul3A_20 = arith.mulf %dot_general3A_19, %mul3A : vector<1024x32xf32>
    %swap3A = arith.constant 0 : index
    %swap3A_21 = arith.constant 0 : index
    %swap3A_22 = vector.load %arg4[%swap3A, %swap3A_21] : memref<1024x32xf32, #tpu.memory_space<vmem>>, vector<1024x32xf32>
    tpu.vector_store %arg4[%swap3A, %swap3A_21], %mul3A_20 {strides = array<i32>} : memref<1024x32xf32, #tpu.memory_space<vmem>>, vector<1024x32xf32>,
    return
  }
  func.func @transform_0(%arg0: i32) -> (i32, i32) {
    %c0_i32 = arith.constant 0 : i32
    %c0_i32_0 = arith.constant 0 : i32
    return %arg0, %c0_i32 : i32, i32
  }
  func.func @transform_1(%arg0: i32) -> (i32, i32) {
    %c0_i32 = arith.constant 0 : i32
    %c0_i32_0 = arith.constant 0 : i32
    %c0_i32_1 = arith.constant 0 : i32
    return %c0_i32, %c0_i32_0 : i32, i32
  }
  func.func @transform_2(%arg0: i32) -> (i32, i32, i32) {
    %c0_i32 = arith.constant 0 : i32
    %c0_i32_0 = arith.constant 0 : i32
    %c0_i32_1 = arith.constant 0 : i32
    return %c0_i32, %arg0, %c0_i32_0 : i32, i32, i32
  }
  func.func @transform_3(%arg0: i32) -> (i32, i32) {
    %c0_i32 = arith.constant 0 : i32
    %c0_i32_0 = arith.constant 0 : i32
    return %arg0, %c0_i32 : i32, i32
  }
}

module attributes {stable_mosaic.version = 14 : i64} {
  func.func @_tcB_body(%arg0: i32, %arg1: memref<2x1024x32xf32, #tpu.memory_space<vmem>>, %arg2: memref<2x1024x8xf32, #tpu.memory_space<vmem>>, %arg3: memref<1x32xf32, #tpu.memory_space<vmem>>, %arg4: memref<32x32xf32, #tpu.memory_space<vmem>>, %arg5: memref<1024x32xf32, #tpu.memory_space<vmem>>) attributes {dimension_semantics = [#tpu.dimension_semantics<arbitrary>], iteration_bounds = array<i64: 10>, scalar_prefetch = 0 : i64, scratch_operands = 0 : i64, tpu.core_type = #tpu.core_type<tc>, window_params = [{transform_indices = @transform_0, window_bounds = array<i64: 2, 1024, 32>}, {transform_indices = @transform_1, window_bounds = array<i64: 2, 1024, 8>}, {pipeline_mode = #tpu.pipeline_mode<synchronous>, transform_indices = @transform_2, window_bounds = array<i64: 1, 32>}, {pipeline_mode = #tpu.pipeline_mode<synchronous>, transform_indices = @transform_3, window_bounds = array<i64: 32, 32>}, {transform_indices = @transform_4, window_bounds = array<i64: 1024, 32>}]} {
    %get3A = arith.constant 0 : index
    %get3A_0 = arith.constant 0 : index
    %get3A_1 = arith.constant 0 : index
    %get3A_2 = vector.load %arg2[%get3A, %get3A_0, %get3A_1] : memref<2x1024x8xf32, #tpu.memory_space<vmem>>, vector<1x1024x8xf32>
    %get3A_3 = vector.shape_cast %get3A_2 : vector<1x1024x8xf32> to vector<1024x8xf32>
    %get3A_4 = arith.constant 1 : index
    %get3A_5 = arith.constant 0 : index
    %get3A_6 = arith.constant 0 : index
    %get3A_7 = vector.load %arg2[%get3A_4, %get3A_5, %get3A_6] : memref<2x1024x8xf32, #tpu.memory_space<vmem>>, vector<1x1024x8xf32>
    %get3A_8 = vector.shape_cast %get3A_7 : vector<1x1024x8xf32> to vector<1024x8xf32>
    %add3A = arith.addf %get3A_3, %get3A_8 : vector<1024x8xf32>
    %slice3A = vector.extract_strided_slice %add3A {offsets = [0, 0], sizes = [1024, 1], strides = [1, 1]} : vector<1024x8xf32> to vector<1024x1xf32>
    %slice3A_9 = vector.extract_strided_slice %add3A {offsets = [0, 1], sizes = [1024, 1], strides = [1, 1]} : vector<1024x8xf32> to vector<1024x1xf32>
    %gt3A = arith.constant 0.000000e+00 : f32
    %gt3A_10 = vector.broadcast %gt3A : f32 to vector<1024x1xf32>
    %gt3A_11 = arith.cmpf ogt, %slice3A, %gt3A_10 : vector<1024x1xf32>
    %max3A = arith.constant 1.000000e+00 : f32
    %max3A_12 = vector.broadcast %max3A : f32 to vector<1024x1xf32>
    %max3A_13 = arith.maximumf %slice3A, %max3A_12 : vector<1024x1xf32>
    %rsqrt3A = math.rsqrt %max3A_13 : vector<1024x1xf32>
    %jit3A = arith.constant 0.000000e+00 : f32
    %broadcast_in_dim3A = vector.broadcast %jit3A : f32 to vector<1024x1xf32>
    %select_n3A = arith.select %gt3A_11, %rsqrt3A, %broadcast_in_dim3A : vector<1024x1xi1>, vector<1024x1xf32>
    %gt3A_14 = arith.constant 0.000000e+00 : f32
    %gt3A_15 = vector.broadcast %gt3A_14 : f32 to vector<1024x1xf32>
    %gt3A_16 = arith.cmpf ogt, %slice3A_9, %gt3A_15 : vector<1024x1xf32>
    %max3A_17 = arith.constant 1.000000e+00 : f32
    %max3A_18 = vector.broadcast %max3A_17 : f32 to vector<1024x1xf32>
    %max3A_19 = arith.maximumf %slice3A_9, %max3A_18 : vector<1024x1xf32>
    %rsqrt3A_20 = math.rsqrt %max3A_19 : vector<1024x1xf32>
    %jit3A_21 = arith.constant 0.000000e+00 : f32
    %broadcast_in_dim3A_22 = vector.broadcast %jit3A_21 : f32 to vector<1024x1xf32>
    %select_n3A_23 = arith.select %gt3A_16, %rsqrt3A_20, %broadcast_in_dim3A_22 : vector<1024x1xi1>, vector<1024x1xf32>
    %get3A_24 = arith.constant 0 : index
    %get3A_25 = arith.constant 0 : index
    %get3A_26 = arith.constant 0 : index
    %get3A_27 = vector.load %arg1[%get3A_24, %get3A_25, %get3A_26] : memref<2x1024x32xf32, #tpu.memory_space<vmem>>, vector<1x1024x32xf32>
    %get3A_28 = vector.shape_cast %get3A_27 : vector<1x1024x32xf32> to vector<1024x32xf32>
    %get3A_29 = arith.constant 1 : index
    %get3A_30 = arith.constant 0 : index
    %get3A_31 = arith.constant 0 : index
    %get3A_32 = vector.load %arg1[%get3A_29, %get3A_30, %get3A_31] : memref<2x1024x32xf32, #tpu.memory_space<vmem>>, vector<1x1024x32xf32>
    %get3A_33 = vector.shape_cast %get3A_32 : vector<1x1024x32xf32> to vector<1024x32xf32>
    %add3A_34 = arith.addf %get3A_28, %get3A_33 : vector<1024x32xf32>
    %mul3A = vector.broadcast %select_n3A_23 : vector<1024x1xf32> to vector<1024x32xf32>
    %mul3A_35 = arith.mulf %add3A_34, %mul3A : vector<1024x32xf32>
    %get3A_36 = arith.constant 0 : index
    %get3A_37 = arith.constant 0 : index
    %get3A_38 = vector.load %arg3[%get3A_36, %get3A_37] : memref<1x32xf32, #tpu.memory_space<vmem>>, vector<1x32xf32>
    %add3A_39 = vector.broadcast %get3A_38 : vector<1x32xf32> to vector<1024x32xf32>
    %add3A_40 = arith.addf %mul3A_35, %add3A_39 : vector<1024x32xf32>
    %max3A_41 = arith.constant 0.000000e+00 : f32
    %max3A_42 = vector.broadcast %max3A_41 : f32 to vector<1024x32xf32>
    %max3A_43 = arith.maximumf %add3A_40, %max3A_42 : vector<1024x32xf32>
    %get3A_44 = arith.constant 0 : index
    %get3A_45 = arith.constant 0 : index
    %get3A_46 = vector.load %arg4[%get3A_44, %get3A_45] : memref<32x32xf32, #tpu.memory_space<vmem>>, vector<32x32xf32>
    %dot_general3A = arith.constant dense<0.000000e+00> : vector<1024x32xf32>
    %dot_general3A_47 = tpu.matmul %max3A_43, %get3A_46, %dot_general3A {dimension_numbers = #tpu.dot_dimension_numbers<[1], [0], [0], [1], [0, 0, 1, 1], [], []>, transpose_lhs_hint = false} : vector<1024x32xf32>, vector<32x32xf32>, vector<1024x32xf32> -> vector<1024x32xf32>
    %mul3A_48 = vector.broadcast %select_n3A : vector<1024x1xf32> to vector<1024x32xf32>
    %mul3A_49 = arith.mulf %dot_general3A_47, %mul3A_48 : vector<1024x32xf32>
    %swap3A = arith.constant 0 : index
    %swap3A_50 = arith.constant 0 : index
    %swap3A_51 = vector.load %arg5[%swap3A, %swap3A_50] : memref<1024x32xf32, #tpu.memory_space<vmem>>, vector<1024x32xf32>
    tpu.vector_store %arg5[%swap3A, %swap3A_50], %mul3A_49 {strides = array<i32>} : memref<1024x32xf32, #tpu.memory_space<vmem>>, vector<1024x32xf32>,
    return
  }
  func.func @transform_0(%arg0: i32) -> (i32, i32, i32) {
    %c0_i32 = arith.constant 0 : i32
    %c0_i32_0 = arith.constant 0 : i32
    %c0_i32_1 = arith.constant 0 : i32
    return %c0_i32, %arg0, %c0_i32_0 : i32, i32, i32
  }
  func.func @transform_1(%arg0: i32) -> (i32, i32, i32) {
    %c0_i32 = arith.constant 0 : i32
    %c0_i32_0 = arith.constant 0 : i32
    %c0_i32_1 = arith.constant 0 : i32
    return %c0_i32, %arg0, %c0_i32_0 : i32, i32, i32
  }
  func.func @transform_2(%arg0: i32) -> (i32, i32) {
    %c0_i32 = arith.constant 0 : i32
    %c0_i32_0 = arith.constant 0 : i32
    %c0_i32_1 = arith.constant 0 : i32
    return %c0_i32, %c0_i32_0 : i32, i32
  }
  func.func @transform_3(%arg0: i32) -> (i32, i32) {
    %c0_i32 = arith.constant 0 : i32
    %c0_i32_0 = arith.constant 0 : i32
    %c0_i32_1 = arith.constant 0 : i32
    return %c0_i32, %c0_i32_0 : i32, i32
  }
  func.func @transform_4(%arg0: i32) -> (i32, i32) {
    %c0_i32 = arith.constant 0 : i32
    %c0_i32_0 = arith.constant 0 : i32
    return %arg0, %c0_i32 : i32, i32
  }
}

module attributes {stable_mosaic.version = 14 : i64} {
  func.func @_tcC_body(%arg0: i32, %arg1: memref<2x1024x32xf32, #tpu.memory_space<vmem>>, %arg2: memref<2x1024x8xf32, #tpu.memory_space<vmem>>, %arg3: memref<1x32xf32, #tpu.memory_space<vmem>>, %arg4: memref<32x2xf32, #tpu.memory_space<vmem>>, %arg5: memref<1x2xf32, #tpu.memory_space<vmem>>, %arg6: memref<1024x2xf32, #tpu.memory_space<vmem>>) attributes {dimension_semantics = [#tpu.dimension_semantics<arbitrary>], iteration_bounds = array<i64: 10>, scalar_prefetch = 0 : i64, scratch_operands = 0 : i64, tpu.core_type = #tpu.core_type<tc>, window_params = [{transform_indices = @transform_0, window_bounds = array<i64: 2, 1024, 32>}, {transform_indices = @transform_1, window_bounds = array<i64: 2, 1024, 8>}, {pipeline_mode = #tpu.pipeline_mode<synchronous>, transform_indices = @transform_2, window_bounds = array<i64: 1, 32>}, {pipeline_mode = #tpu.pipeline_mode<synchronous>, transform_indices = @transform_3, window_bounds = array<i64: 32, 2>}, {pipeline_mode = #tpu.pipeline_mode<synchronous>, transform_indices = @transform_4, window_bounds = array<i64: 1, 2>}, {transform_indices = @transform_5, window_bounds = array<i64: 1024, 2>}]} {
    %get3A = arith.constant 0 : index
    %get3A_0 = arith.constant 0 : index
    %get3A_1 = arith.constant 0 : index
    %get3A_2 = vector.load %arg2[%get3A, %get3A_0, %get3A_1] : memref<2x1024x8xf32, #tpu.memory_space<vmem>>, vector<1x1024x8xf32>
    %get3A_3 = vector.shape_cast %get3A_2 : vector<1x1024x8xf32> to vector<1024x8xf32>
    %get3A_4 = arith.constant 1 : index
    %get3A_5 = arith.constant 0 : index
    %get3A_6 = arith.constant 0 : index
    %get3A_7 = vector.load %arg2[%get3A_4, %get3A_5, %get3A_6] : memref<2x1024x8xf32, #tpu.memory_space<vmem>>, vector<1x1024x8xf32>
    %get3A_8 = vector.shape_cast %get3A_7 : vector<1x1024x8xf32> to vector<1024x8xf32>
    %add3A = arith.addf %get3A_3, %get3A_8 : vector<1024x8xf32>
    %slice3A = vector.extract_strided_slice %add3A {offsets = [0, 1], sizes = [1024, 1], strides = [1, 1]} : vector<1024x8xf32> to vector<1024x1xf32>
    %gt3A = arith.constant 0.000000e+00 : f32
    %gt3A_9 = vector.broadcast %gt3A : f32 to vector<1024x1xf32>
    %gt3A_10 = arith.cmpf ogt, %slice3A, %gt3A_9 : vector<1024x1xf32>
    %max3A = arith.constant 1.000000e+00 : f32
    %max3A_11 = vector.broadcast %max3A : f32 to vector<1024x1xf32>
    %max3A_12 = arith.maximumf %slice3A, %max3A_11 : vector<1024x1xf32>
    %rsqrt3A = math.rsqrt %max3A_12 : vector<1024x1xf32>
    %jit3A = arith.constant 0.000000e+00 : f32
    %broadcast_in_dim3A = vector.broadcast %jit3A : f32 to vector<1024x1xf32>
    %select_n3A = arith.select %gt3A_10, %rsqrt3A, %broadcast_in_dim3A : vector<1024x1xi1>, vector<1024x1xf32>
    %get3A_13 = arith.constant 0 : index
    %get3A_14 = arith.constant 0 : index
    %get3A_15 = arith.constant 0 : index
    %get3A_16 = vector.load %arg1[%get3A_13, %get3A_14, %get3A_15] : memref<2x1024x32xf32, #tpu.memory_space<vmem>>, vector<1x1024x32xf32>
    %get3A_17 = vector.shape_cast %get3A_16 : vector<1x1024x32xf32> to vector<1024x32xf32>
    %get3A_18 = arith.constant 1 : index
    %get3A_19 = arith.constant 0 : index
    %get3A_20 = arith.constant 0 : index
    %get3A_21 = vector.load %arg1[%get3A_18, %get3A_19, %get3A_20] : memref<2x1024x32xf32, #tpu.memory_space<vmem>>, vector<1x1024x32xf32>
    %get3A_22 = vector.shape_cast %get3A_21 : vector<1x1024x32xf32> to vector<1024x32xf32>
    %add3A_23 = arith.addf %get3A_17, %get3A_22 : vector<1024x32xf32>
    %mul3A = vector.broadcast %select_n3A : vector<1024x1xf32> to vector<1024x32xf32>
    %mul3A_24 = arith.mulf %add3A_23, %mul3A : vector<1024x32xf32>
    %get3A_25 = arith.constant 0 : index
    %get3A_26 = arith.constant 0 : index
    %get3A_27 = vector.load %arg3[%get3A_25, %get3A_26] : memref<1x32xf32, #tpu.memory_space<vmem>>, vector<1x32xf32>
    %add3A_28 = vector.broadcast %get3A_27 : vector<1x32xf32> to vector<1024x32xf32>
    %add3A_29 = arith.addf %mul3A_24, %add3A_28 : vector<1024x32xf32>
    %max3A_30 = arith.constant 0.000000e+00 : f32
    %max3A_31 = vector.broadcast %max3A_30 : f32 to vector<1024x32xf32>
    %max3A_32 = arith.maximumf %add3A_29, %max3A_31 : vector<1024x32xf32>
    %get3A_33 = arith.constant 0 : index
    %get3A_34 = arith.constant 0 : index
    %get3A_35 = vector.load %arg4[%get3A_33, %get3A_34] : memref<32x2xf32, #tpu.memory_space<vmem>>, vector<32x2xf32>
    %dot_general3A = arith.constant dense<0.000000e+00> : vector<1024x2xf32>
    %dot_general3A_36 = tpu.matmul %max3A_32, %get3A_35, %dot_general3A {dimension_numbers = #tpu.dot_dimension_numbers<[1], [0], [0], [1], [0, 0, 1, 1], [], []>, transpose_lhs_hint = false} : vector<1024x32xf32>, vector<32x2xf32>, vector<1024x2xf32> -> vector<1024x2xf32>
    %get3A_37 = arith.constant 0 : index
    %get3A_38 = arith.constant 0 : index
    %get3A_39 = vector.load %arg5[%get3A_37, %get3A_38] : memref<1x2xf32, #tpu.memory_space<vmem>>, vector<1x2xf32>
    %add3A_40 = vector.broadcast %get3A_39 : vector<1x2xf32> to vector<1024x2xf32>
    %add3A_41 = arith.addf %dot_general3A_36, %add3A_40 : vector<1024x2xf32>
    %swap3A = arith.constant 0 : index
    %swap3A_42 = arith.constant 0 : index
    %swap3A_43 = vector.load %arg6[%swap3A, %swap3A_42] : memref<1024x2xf32, #tpu.memory_space<vmem>>, vector<1024x2xf32>
    tpu.vector_store %arg6[%swap3A, %swap3A_42], %add3A_41 {strides = array<i32>} : memref<1024x2xf32, #tpu.memory_space<vmem>>, vector<1024x2xf32>,
    return
  }
  func.func @transform_0(%arg0: i32) -> (i32, i32, i32) {
    %c0_i32 = arith.constant 0 : i32
    %c0_i32_0 = arith.constant 0 : i32
    %c0_i32_1 = arith.constant 0 : i32
    return %c0_i32, %arg0, %c0_i32_0 : i32, i32, i32
  }
  func.func @transform_1(%arg0: i32) -> (i32, i32, i32) {
    %c0_i32 = arith.constant 0 : i32
    %c0_i32_0 = arith.constant 0 : i32
    %c0_i32_1 = arith.constant 0 : i32
    return %c0_i32, %arg0, %c0_i32_0 : i32, i32, i32
  }
  func.func @transform_2(%arg0: i32) -> (i32, i32) {
    %c0_i32 = arith.constant 0 : i32
    %c0_i32_0 = arith.constant 0 : i32
    %c0_i32_1 = arith.constant 0 : i32
    return %c0_i32, %c0_i32_0 : i32, i32
  }
  func.func @transform_3(%arg0: i32) -> (i32, i32) {
    %c0_i32 = arith.constant 0 : i32
    %c0_i32_0 = arith.constant 0 : i32
    %c0_i32_1 = arith.constant 0 : i32
    return %c0_i32, %c0_i32_0 : i32, i32
  }
  func.func @transform_4(%arg0: i32) -> (i32, i32) {
    %c0_i32 = arith.constant 0 : i32
    %c0_i32_0 = arith.constant 0 : i32
    %c0_i32_1 = arith.constant 0 : i32
    return %c0_i32, %c0_i32_0 : i32, i32
  }
  func.func @transform_5(%arg0: i32) -> (i32, i32) {
    %c0_i32 = arith.constant 0 : i32
    %c0_i32_0 = arith.constant 0 : i32
    return %arg0, %c0_i32 : i32, i32
  }
}

</mosaic_0001>

<sc_bundles>
// kernel: kernel.11.cloned.1.call-start
scs
__scs_entry_jumppad:
0x0: {  	(pc) =	sbr.rel $0x88, $3  }
0x1: {  	(tag) =	ssettag $0x0;
	lr =	simm.s32 $0x1  }
0x2: {  	[smem:$0x3F99] =	sst lr;
	_ =	strace $0xD0000000  }
0x3: {  	_ = 	snop  }
0x4: {  	_ = 	snop  }
0x5: {  	_ = 	snop  }
0x6: {  	_ = 	snop  }
0x7: {  	_ = 	snop  }
__scs_overlays_trampoline_lowered:
0x8: {  	[smem:$0x3FA8] =	sst s0  }
0x9: {  	[smem:$0x3FA9] =	sst s1  }
0xa: {  	[smem:$0x3FAA] =	sst s2  }
0xb: {  	[smem:$0x3FAB] =	sst s3  }
0xc: {  	[smem:$0x3FAC] =	sst s4  }
0xd: {  	[smem:$0x3FAD] =	sst s5  }
0xe: {  	[smem:$0x3FAE] =	sst s6  }
0xf: {  	[smem:$0x3FAF] =	sst s7  }
0x10: {  	[smem:$0x3FB0] =	sst s8  }
0x11: {  	[smem:$0x3FB1] =	sst s9;
	s0 =	simm.s32 @!p0 $0x0  }
0x12: {  	s1 =	sld [smem:$0x3F97];
	s0 =	simm.s32 @p0 $0x1  }
0x13: {  	[smem:$0x3FB2] =	sst s0;
	s0 =	simm.s32 @!p1 $0x0  }
0x14: {  	s2 =	sld [smem:$0x3F96];
	s0 =	simm.s32 @p1 $0x1  }
0x15: {  	[smem:$0x3FB3] =	sst s0;
	s0 =	simm.s32 @!p2 $0x0  }
0x16: {  	s3 =	sld [smem:$0x3FDB];
	s0 =	simm.s32 @p2 $0x1  }
0x17: {  	s4 =	simm.s32 $0x1BF5;
	[smem:$0x3FB5] =	sst s0  }
0x18: {  	s0 =	sld [smem:$0x3F98];
	_ =	swait.ge [sflag:s4], $0x0  }
0x19: {  	s7 =	sld [smem:$0x3F99]  }
0x1a: {  	s8 =	sadd.s32 $0xFFFFE003, lr  }
0x1b: {  	s9 =	sadd.s32 $0xFFFFFEF7, lr;
	s5 =	simm.s32 $0xFFFFFFFF;
	p2 =	slt.u32 s8, $0xFFFFF086  }
0x1c: {  	p1 =	slt.u32 s9, $0xF7A;
	s5 =	simm.s32 @!p2 $0x0  }
0x1d: {  	s5 =	simm.s32 @p1 $0x1;
	p0 =	seq.s32 s7, s2  }
0x1e: {  	s7 =	smul.u32 @!p0 $0xF7A, s2;
	p2 =	seq.s32 @!p0 s5, $0x0  }
0x1f: {  	s9 =	smul.u32 $0xF7A, s1;
	s8 =	simm.s32 @!p0 $0x1BF5;
	p2 =	por !p2, p0  }
0x20: {  	[sflag:s8] =	ssyncset.s32 @!p0 $0xFFFFF086;
	s6 =	sadd.s32 @!p0 s3, s7;
	s7 =	simm.s32 @!p0 $0x108  }
0x21: {  	s3 =	sadd.s32 s3, s9;
	s6 =	sadd.s32 @!p0 $0x88, s6;
	s7 =	simm.s32 @p2 $0x1082  }
0x22: {  	[simem:s7], [sflag:s8] =	dma.local @!p0 [hbm:s6], $0xF7A  }
0x23: {  	s9 =	sor.u32 $0xD0000000, s2;
	s6 =	simm.s32 $0x108;
	_ =	swait.ge @!p0 [sflag:s8], $0x0  }
0x24: {  	s3 =	sadd.s32 $0x88, s3;
	s6 =	simm.s32 @!p1 $0x1082;
	[sflag:s4] =	ssyncset.s32 $0xFFFFF086  }
0x25: {  	[simem:s6], [sflag:s4] =	dma.local [hbm:s3], $0xF7A  }
0x26: {  	[smem:$0x3F99] =	sst s1;
	(tag) =	ssettag s2;
	_ =	strace s9  }
0x27: {  	s1 =	sld [smem:$0x3FA9]  }
0x28: {  	s2 =	sld [smem:$0x3FAA]  }
0x29: {  	s4 =	sld [smem:$0x3FAC]  }
0x2a: {  	p0 =	seq.s32 s5, $0x0;
	s5 =	sld [smem:$0x3FAD]  }
0x2b: {  	s6 =	sld [smem:$0x3FAE]  }
0x2c: {  	s7 =	sld [smem:$0x3FAF]  }
0x2d: {  	s3 =	simm.s32 $0x108;
	s8 =	sld [smem:$0x3FB0]  }
0x2e: {  	s3 =	simm.s32 @!p0 $0x1082;
	s9 =	sld [smem:$0x3FB1]  }
0x2f: {  	lr =	sadd.s32 s0, s3;
	s0 =	sld [smem:$0x3FA8]  }
0x30: {  	s3 =	sld [smem:$0x3FAB]  }
0x31: {  	[smem:$0x3FB4] =	sst s10  }
0x32: {  	s10 =	sld [smem:$0x3FB2];
	_ =	sdelay $0x3  }
0x33: {  	p0 =	seq.s32 s10, $0x1;
	s10 =	sld [smem:$0x3FB4];
	_ =	sdelay $0x3  }
0x34: {  	[smem:$0x3FB4] =	sst s10  }
0x35: {  	s10 =	sld [smem:$0x3FB3];
	_ =	sdelay $0x3  }
0x36: {  	p1 =	seq.s32 s10, $0x1;
	s10 =	sld [smem:$0x3FB4];
	_ =	sdelay $0x3  }
0x37: {  	[smem:$0x3FB4] =	sst s10  }
0x38: {  	s10 =	sld [smem:$0x3FB5]  }
0x39: {  	_ = 	snop;
	(pc) =	sbr.ind lr, $3  }
0x3a: {  	_ = 	snop  }
0x3b: {  	_ = 	snop  }
0x3c: {  	p2 =	seq.s32 s10, $0x1;
	s10 =	sld [smem:$0x3FB4]  }
0x3d: {  	_ =	shalt  }
0x3e: {  	_ =	shalt  }
0x3f: {  	_ =	shalt  }
0x40: {  	_ =	shalt  }
0x41: {  	_ =	shalt  }
0x42: {  	_ =	shalt  }
0x43: {  	_ =	shalt  }
0x44: {  	_ =	shalt  }
0x45: {  	_ =	shalt  }
0x46: {  	_ =	shalt  }
0x47: {  	_ =	shalt  }
0x48: {  	_ =	shalt  }
0x49: {  	_ =	shalt  }
0x4a: {  	_ =	shalt  }
0x4b: {  	_ =	shalt  }
0x4c: {  	_ =	shalt  }
0x4d: {  	_ =	shalt  }
0x4e: {  	_ =	shalt  }
0x4f: {  	_ =	shalt  }
0x50: {  	_ =	shalt  }
0x51: {  	_ =	shalt  }
0x52: {  	_ =	shalt  }
0x53: {  	_ =	shalt  }
0x54: {  	_ =	shalt  }
0x55: {  	_ =	shalt  }
0x56: {  	_ =	shalt  }
0x57: {  	_ =	shalt  }
0x58: {  	_ =	shalt  }
0x59: {  	_ =	shalt  }
0x5a: {  	_ =	shalt  }
0x5b: {  	_ =	shalt  }
0x5c: {  	_ =	shalt  }
0x5d: {  	_ =	shalt  }
0x5e: {  	_ =	shalt  }
0x5f: {  	_ =	shalt  }
0x60: {  	_ =	shalt  }
0x61: {  	_ =	shalt  }
0x62: {  	_ =	shalt  }
0x63: {  	_ =	shalt  }
0x64: {  	_ =	shalt  }
0x65: {  	_ =	shalt  }
0x66: {  	_ =	shalt  }
0x67: {  	_ =	shalt  }
0x68: {  	_ =	shalt  }
0x69: {  	_ =	shalt  }
0x6a: {  	_ =	shalt  }
0x6b: {  	_ =	shalt  }
0x6c: {  	_ =	shalt  }
0x6d: {  	_ =	shalt  }
0x6e: {  	_ =	shalt  }
0x6f: {  	_ =	shalt  }
0x70: {  	_ =	shalt  }
0x71: {  	_ =	shalt  }
0x72: {  	_ =	shalt  }
0x73: {  	_ =	shalt  }
0x74: {  	_ =	shalt  }
0x75: {  	_ =	shalt  }
0x76: {  	_ =	shalt  }
0x77: {  	_ =	shalt  }
0x78: {  	_ =	shalt  }
0x79: {  	_ =	shalt  }
0x7a: {  	_ =	shalt  }
0x7b: {  	_ =	shalt  }
0x7c: {  	_ =	shalt  }
0x7d: {  	_ =	shalt  }
0x7e: {  	_ =	shalt  }
0x7f: {  	_ =	shalt  }
0x80: {  	_ =	shalt  }
0x81: {  	_ =	shalt  }
0x82: {  	_ =	shalt  }
0x83: {  	_ =	shalt  }
0x84: {  	_ =	shalt  }
0x85: {  	_ =	shalt  }
0x86: {  	_ =	shalt  }
0x87: {  	_ =	shalt  }
.Lfunc_end0:
.L_simem_size_0:
called_computation.1_lowered:
.L_overlay_start_0:
0x88: {  	s2 =	sld [smem:$0x3FD9]  }
0x89: {  	s3 =	sld [smem:$0x3FFE];
	_ =	sdelay $0x1  }
0x8a: {  	s1 =	srdreg.scid  }
0x8b: {  	s0 =	sand.u32 $0x1, s1  }
0x8c: {  	s16 =	sshll.u32 s0, $0xA;
	s2 =	sadd.s32 s3, s2  }
0x8d: {  	s2 =	sadd.s32 s2, s16  }
0x8e: {  	[smem:$0x3FC0] =	sst s2  }
0x8f: {  	_ = 	snop  }
0x90: {  	(tm) =	ssettm $0x1  }
0x91: {  	s17 =	sld [smem:$0x3FFB];
	_ =	sdelay $0x3  }
0x92: {  	_ =	strace s17  }
0x93: {  	s2 =	sld [smem:$0x3FFC];
	_ =	sdelay $0x3  }
0x94: {  	_ =	strace s2  }
0x95: {  	s2 =	sld [smem:$0x3FFD];
	_ =	sdelay $0x3  }
0x96: {  	_ =	strace s2  }
0x97: {  	_ =	strace $0x8FFFFFFF  }
0x98: {  	s18 =	sld [smem:$0x3FDB];
	_ =	sdelay $0x1  }
0x99: {  	s19 =	simm.s32 $_scs_section_size  }
0x9a: {  	s4 =	simm.s32 $_size__tile_overlayer_lowered;
	s5 =	simm.s32 $_tile_overlayer_lowered  }
0x9b: {  	s22 =	simm.s32 $0x1BFF;
	s21 =	sshll.u32 s5, $0x1;
	s2 =	sadd.s32 s19, s18  }
0x9c: {  	s6 =	simm.s32 $0x0;
	s20 =	sshll.u32 s4, $0x1;
	s4 =	sadd.s32 s21, s2  }
0x9d: {  	[timem:s6], [sflag:s22] =	dma.local [hbm:s4], s20  }
0x9e: {  	_ =	swait.ge [sflag:s22], s20  }
0x9f: {  	s3 =	ssub.s32 $0x0, s20;
	[sflag:s22] =	ssyncset.done $0x0  }
0xa0: {  	[sflag:s22] =	ssyncadd.s32 s3;
	_ =	sdelay $0x1  }
0xa1: {  	s23 =	simm.s32 $0x1B8B  }
0xa2: {  	_ =	swait.ge [sflag:s23], $0x1  }
0xa3: {  	[sflag:s23] =	ssyncset.done $0x0  }
0xa4: {  	s25 =	simm.s32 $0x1B8E;
	s24 =	sld [smem:$0x3FFE];
	[sflag:s23] =	ssyncadd.s32 $0xFFFFFFFF  }
0xa5: {  	s26 =	simm.s32 $execute0_lowered;
	[smem:$0x3FD2] =	sst s25  }
0xa6: {  	s4 =	sshll.u32 s26, $0x1;
	_ =	strace $0x80000049;
	[dreg:$0x1] =	wrdreg $0xFFFFFFFF  }
0xa7: {  	s28 =	simm.s32 $_size_execute0_lowered;
	s2 =	sadd.s32 s2, s4;
	[dreg:$0x0] =	wrdreg $0x0  }
0xa8: {  	s4 =	sshll.u32 s28, $0x1;
	[dreg:$0x2] =	wrdreg s2  }
0xa9: {  	[dreg:$0x3] =	wrdreg s4  }
0xaa: {  	[dreg:$0x4] =	wrdreg $0xC0  }
0xab: {  	_ =	task [dreg:s6], $0x5FFFF  }
0xac: {  	[dreg:$0x1] =	wrdreg $0xFFFFFFFF  }
0xad: {  	[dreg:$0x0] =	wrdreg $0x60  }
0xae: {  	[dreg:$0x2] =	wrdreg s24  }
0xaf: {  	[dreg:$0x3] =	wrdreg $0x6F000  }
0xb0: {  	[dreg:$0x4] =	wrdreg $0x9  }
0xb1: {  	_ =	task.clear_ibuf [dreg:s6], $0x5FFFF;
	_ =	strace $0x90000049  }
0xb2: {  	s29 =	simm.s32 $0x9;
	_ =	strace $0x8000004B  }
0xb3: {  	_ =	swait.ge [sflag:s29], $0x1  }
0xb4: {  	[sflag:s29] =	ssyncadd.s32 $0xFFFFFFFF  }
0xb5: {  	_ =	strace $0x9000004B  }
0xb6: {  	_ =	sfence  }
0xb7: {  	s30 =	sld [smem:$0x0];
	_ =	sdelay $0x2  }
0xb8: {  	s31 =	sshll.u32 s1, $0xD;
	s1 =	sshrl.u32 s1, $0x2  }
0xb9: {  	s3 =	sand.u32 $0x4000, s31;
	s1 =	sadd.s32 s1, s30  }
0xba: {  	s0 =	sor.u32 s3, s0;
	s1 =	sshll.u32 s1, $0x11  }
0xbb: {  	s0 =	sor.u32 s1, s0  }
0xbc: {  	s0 =	sadd.s32 $0x8F2B, s0  }
0xbd: {  	[sflag:s0] =	ssyncadd.remote.s32 $0x1  }
0xbe: {  	_ =	sfence.sel $0xFFFF  }
0xbf: {  	[dreg:$0x0] =	wrdreg $0xFFFFFFFF;
	(pc) =	sbr.abs _section_cstart, $3  }
0xc0: {  	[dreg:$0x1] =	wrdreg $0xFFFFFFFF  }
0xc1: {  	_ =	task.clear_ibuf [dreg:s6], $0x2FFFF;
	_ =	strace $0x9FFFFFFF  }
0xc2: {  	(tm) =	ssettm $0x7FFFFFFF  }
0xc3: {  	_ =	shalt  }
tec
execute0_lowered:
.L_overlay_start_1:
0x0: {  	(tag) =	ssettag $0x1  }
0x1: {  	s6 =	rddreg [dreg:$0x0]  }
0x2: {  	s0 =	srdreg.scid;
	s2 =	rddreg [dreg:$0x1]  }
0x3: {  	s3 =	simm.s32 $0x0;
	s14 =	simm.s32 $0x80;
	s15 =	simm.s32 $0x1  }
0x4: {  	s16 =	simm.s32 $0x4E80;
	s5 =	sand.u32 $0x1, s0;
	s0 =	stileid.u32  }
0x5: {  	s17 =	simm.s32 $0x0;
	[smem:$0x7FF] =	sst s3;
	s8 =	smul.u32 $0x5000, s0  }
0x6: {  	s4 =	sadd.s32 $0x65800, s6;
	s1 =	sshll.u32 s5, $0x4;
	s9 =	smul.u32 $0x50000, s5  }
0x7: {  	s5 =	ssub.s32 $0x2, s5;
	s13 =	sshll.u32 s0, $0x6;
	s1 =	sor.u32 s0, s1  }
0x8: {  	s11 =	sshrl.u32 s5, $0x1;
	s7 =	smul.u32 $0x4F0, s1;
	s1 =	rddreg [dreg:$0x2]  }
0x9: {  	_ =	strace $0x8000004A;
	s9 =	sadd.s32 s8, s9;
	s10 =	sshrl.u32 s8, $0x3  }
0xa: {  	s11 =	ssub.s32 s5, s11;
	s12 =	sadd.s32 s8, s2;
	s9 =	sshrl.u32 s9, $0x3  }
0xb: {  	s10 =	sadd.s32 s10, s6;
	s12 =	sshrl.u32 s12, $0x3;
	s7 =	sadd.s32 s7, s6  }
0xc: {  	s9 =	sadd.s32 s9, s6;
	s5 =	sadd.s32 $0xBA00, s7;
	s6 =	sadd.s32 $0x1C00, s7  }
0xd: {  	s7 =	sadd.s32 $0x6F800, s10;
	s8 =	sadd.s32 $0x79800, s9;
	s9 =	smax.u32 s11, $0x1  }
0xe: {  	s10 =	simm.s32 $0x3;
	s11 =	sor.u32 $0x1C03, s13;
	s13 =	simm.s32 $0x4F00  }
.LBB2_1:
0xf: {  	[tilespmem:s3], [sflag:$0x3] =	stream.linear.gather [hbm4b:s5+s3], $0x2780, $0x38;
	[tilespmem:$0xBF00] =	vst v63  }
0x10: {  	_ =	swait.ge [sflag:s10], $0x2780  }
0x11: {  	[sflag:s10] =	ssyncset.done $0x0  }
0x12: {  	s18 =	simm.s32 $0x2780;
	[sflag:s10] =	ssyncadd.s32 $0xFFFFD880  }
0x13: {  	[tilespmem:s18], [sflag:$0x3] =	stream.linear.gather [hbm4b:s6+s3], $0x2780, $0x38;
	[tilespmem:$0xBF00] =	vst v63  }
0x14: {  	_ =	swait.ge [sflag:s10], $0x2780  }
0x15: {  	[sflag:s10] =	ssyncset.done $0x0  }
0x16: {  	[sflag:s10] =	ssyncadd.s32 $0xFFFFD880  }
0x17: {  	[spmem:s12], [sflag:s11] =	dma.local [hbm:s7], $0xA00  }
0x18: {  	_ =	swait.ge [sflag:s10], $0xA00  }
0x19: {  	[sflag:s10] =	ssyncset.done $0x0  }
0x1a: {  	s19 =	sand.u32 $0x1, s15;
	s20 =	simm.s32 $0x0;
	[sflag:s10] =	ssyncadd.s32 $0xFFFFF600  }
0x1b: {  	s21 =	sshll.u32 s19, $0xC;
	s20 =	sand.u32 $0x1, s20;
	[bflag:$0x0] =	sbarrier.arrive $0xFFFF  }
0x1c: {  	[tilespmem:s13], [sflag:$0x1] =	stream.indirect.gather [hbm4b:s4+s14], $0x20, s3, s14, $0xb8;
	[tilespmem:$0xBF00] =	vst v63  }
0x1d: {  	s19 =	sadd.s32 $0x1, s19;
	s21 =	sor.u32 $0x4F00, s21;
	s22 =	sadd.s32 $0x1, s20  }
0x1e: {  	[tilespmem:s21], [sflag:s19] =	stream.indirect.gather [hbm4b:s4+s14], $0x20, s14, s14, $0xb8;
	[tilespmem:$0xBF00] =	vst v63  }
0x1f: {  	s31 =	sshll.u32 s20, $0xC;
	_ =	swait.ge [sflag:s22], $0x1000  }
0x20: {  	s20 =	simm.s32 $0x2;
	s19 =	sor.u32 $0x4F00, s31;
	[sflag:s22] =	ssyncset.done $0x0  }
0x21: {  	s21 =	simm.s32 $0x3;
	[sflag:s22] =	ssyncadd.s32 $0xFFFFF000;
	s22 =	sand.u32 $0x1, s20  }
0x22: {  	[spmem:s2] =	stream.indirect.scatter.add.f32 [tilespmem:s19], [sflag:$0x3], $0x20, s18, s14, $0xb8;
	[tilespmem:$0xBF00] =	vst v63  }
0x23: {  	s19 =	simm.s32 $0x100;
	s18 =	simm.s32 $0x2800;
	_ =	swait.ge [sflag:s10], $0x1000  }
.LBB2_2:
0x24: {  	s23 =	sadd.s32 $0xFFFFFFFF, s20;
	s24 =	sshll.u32 s22, $0xC  }
0x25: {  	[sflag:s10] =	ssyncset.done $0x0;
	s20 =	smov.u32 s21;
	s22 =	sadd.s32 $0x1, s22  }
0x26: {  	p0 =	sne.s32 s21, $0x4E;
	s23 =	sand.u32 $0x1, s23;
	s24 =	sor.u32 $0x4F00, s24  }
0x27: {  	s25 =	sshll.u32 s23, $0xC;
	s23 =	sadd.s32 $0x1, s23;
	[sflag:s10] =	ssyncadd.s32 $0xFFFFF000  }
0x28: {  	[tilespmem:s24], [sflag:s22] =	stream.indirect.gather [hbm4b:s4+s14], $0x20, s19, s14, $0xb8;
	[tilespmem:$0xBF00] =	vst v63  }
.Ltmp0:
0x29: {  	s24 =	sadd.s32 $0x1, s21;
	_ =	swait.ge [sflag:s23], $0x1000;
	(pc) =	sbr.rel @p0 .LBB2_2-.Ltmp0, $4  }
0x2a: {  	s21 =	sor.u32 $0x4F00, s25;
	[sflag:s23] =	ssyncset.done $0x0  }
0x2b: {  	s19 =	sadd.s32 $0x80, s19;
	s22 =	sand.u32 $0x1, s20;
	[sflag:s23] =	ssyncadd.s32 $0xFFFFF000  }
0x2c: {  	[spmem:s2] =	stream.indirect.scatter.add.f32 [tilespmem:s21], [sflag:$0x3], $0x20, s18, s14, $0xb8;
	[tilespmem:$0xBF00] =	vst v63  }
0x2d: {  	s18 =	sadd.s32 $0x80, s18;
	s21 =	smov.u32 s24;
	_ =	swait.ge [sflag:s10], $0x1000  }
0x2e: {  	s20 =	sadd.s32 $0xFFFFFFFF, s20;
	s21 =	sshll.u32 s22, $0xC  }
0x2f: {  	[sflag:s10] =	ssyncset.done $0x0;
	s30 =	sadd.s32 $0x1, s22;
	s20 =	sand.u32 $0x1, s20  }
0x30: {  	s21 =	sor.u32 $0x4F00, s21;
	[sflag:s10] =	ssyncadd.s32 $0xFFFFF000;
	s23 =	sadd.s32 $0x1, s20  }
0x31: {  	[tilespmem:s21], [sflag:s30] =	stream.indirect.gather [hbm4b:s4+s14], $0x20, s19, s14, $0xb8;
	[tilespmem:$0xBF00] =	vst v63  }
0x32: {  	_ =	swait.ge [sflag:s23], $0x1000  }
0x33: {  	s31 =	sshll.u32 s20, $0xC;
	[sflag:s23] =	ssyncset.done $0x0  }
0x34: {  	s19 =	sor.u32 $0x4F00, s31;
	[sflag:s23] =	ssyncadd.s32 $0xFFFFF000  }
0x35: {  	[spmem:s2] =	stream.indirect.scatter.add.f32 [tilespmem:s19], [sflag:$0x3], $0x20, s18, s14, $0xb8;
	[tilespmem:$0xBF00] =	vst v63  }
0x36: {  	_ =	swait.ge [sflag:s10], $0x1000  }
0x37: {  	[sflag:s10] =	ssyncset.done $0x0  }
0x38: {  	[sflag:s10] =	ssyncadd.s32 $0xFFFFF000  }
0x39: {  	_ =	swait.ge [sflag:s15], $0x1000  }
0x3a: {  	[sflag:s15] =	ssyncset.done $0x0  }
0x3b: {  	[sflag:s15] =	ssyncadd.s32 $0xFFFFF000  }
0x3c: {  	[spmem:s2] =	stream.indirect.scatter.add.f32 [tilespmem:s13], [sflag:$0x3], $0x20, s16, s14, $0xb8;
	[tilespmem:$0xBF00] =	vst v63  }
0x3d: {  	_ =	swait.ge [sflag:s10], $0x1000  }
0x3e: {  	s17 =	sadd.s32 $0x1, s17;
	[sflag:s10] =	ssyncset.done $0x0  }
0x3f: {  	p0 =	sne.s32 s17, s9;
	[sflag:s10] =	ssyncadd.s32 $0xFFFFF000  }
.Ltmp1:
0x40: {  	[bflag:$0x0] =	sbarrier.arrive $0xFFFF;
	(pc) =	sbr.rel @p0 .LBB2_1-.Ltmp1, $4  }
0x41: {  	[hbm:s8], [sflag:s11] =	dma.local [spmem:s12], $0xA00  }
0x42: {  	_ =	swait.ge [sflag:s10], $0xA00  }
0x43: {  	[sflag:s10] =	ssyncset.done $0x0  }
0x44: {  	[sflag:s10] =	ssyncadd.s32 $0xFFFFF600  }
0x45: {  	_ =	sfence.sel $0x180000  }
0x46: {  	[bflag:$0x0] =	sbarrier.arrive $0xFFFF  }
0x47: {  	p0 =	sne.s32 s0, $0x0;
	_ =	strace $0x9000004A  }
0x48: {  	s0 =	sadd.s32 @!p0 $0x100000, s1;
	[bflag:$0x2] =	sbarrier.arrive $0xFFFF  }
0x49: {  	[sflag:s0] =	ssyncadd.tile.s32 @!p0 $0x1;
	_ =	shalt  }
.Lfunc_end2:
_tile_overlayer_lowered:
.L_overlay_start_2:
0x4a: {  	(tag) =	ssettag $0x2  }
0x4b: {  	s0 =	rddreg [dreg:$0x0];
	s2 =	stileid.u32  }
0x4c: {  	s1 =	rddreg [dreg:$0x1];
	p0 =	sne.s32 s2, $0x0  }
0x4d: {  	s3 =	rddreg [dreg:$0x2];
	[bflag:$0x3] =	sbarrier.arrive $0xFFFF;
	s2 =	simm.s32 @!p0 $0x1C03  }
0x4e: {  	[timem:s3], [sflag:s2] =	dma.local @!p0 [hbm:s0], s1  }
0x4f: {  	s0 =	simm.s32 @!p0 $0x3  }
0x50: {  	_ =	swait.ge @!p0 [sflag:s0], s1  }
0x51: {  	s1 =	ssub.s32 @!p0 $0x0, s1;
	[sflag:s0] =	ssyncset.done @!p0 $0x0  }
0x52: {  	[sflag:s0] =	ssyncadd.s32 @!p0 s1  }
0x53: {  	[bflag:$0x3] =	sbarrier.arrive $0xFFFF  }
0x54: {  	_ =	shalt  }

// kernel: kernel.14.cloned.1.call-start
scs
__scs_entry_jumppad:
0x0: {  	(pc) =	sbr.rel $0x88, $3  }
0x1: {  	(tag) =	ssettag $0x0;
	lr =	simm.s32 $0x1  }
0x2: {  	[smem:$0x3F99] =	sst lr;
	_ =	strace $0xD0000000  }
0x3: {  	_ = 	snop  }
0x4: {  	_ = 	snop  }
0x5: {  	_ = 	snop  }
0x6: {  	_ = 	snop  }
0x7: {  	_ = 	snop  }
__scs_overlays_trampoline_lowered:
0x8: {  	[smem:$0x3FA8] =	sst s0  }
0x9: {  	[smem:$0x3FA9] =	sst s1  }
0xa: {  	[smem:$0x3FAA] =	sst s2  }
0xb: {  	[smem:$0x3FAB] =	sst s3  }
0xc: {  	[smem:$0x3FAC] =	sst s4  }
0xd: {  	[smem:$0x3FAD] =	sst s5  }
0xe: {  	[smem:$0x3FAE] =	sst s6  }
0xf: {  	[smem:$0x3FAF] =	sst s7  }
0x10: {  	[smem:$0x3FB0] =	sst s8  }
0x11: {  	[smem:$0x3FB1] =	sst s9;
	s0 =	simm.s32 @!p0 $0x0  }
0x12: {  	s1 =	sld [smem:$0x3F97];
	s0 =	simm.s32 @p0 $0x1  }
0x13: {  	[smem:$0x3FB2] =	sst s0;
	s0 =	simm.s32 @!p1 $0x0  }
0x14: {  	s2 =	sld [smem:$0x3F96];
	s0 =	simm.s32 @p1 $0x1  }
0x15: {  	[smem:$0x3FB3] =	sst s0;
	s0 =	simm.s32 @!p2 $0x0  }
0x16: {  	s3 =	sld [smem:$0x3FDB];
	s0 =	simm.s32 @p2 $0x1  }
0x17: {  	s4 =	simm.s32 $0x1BF5;
	[smem:$0x3FB5] =	sst s0  }
0x18: {  	s0 =	sld [smem:$0x3F98];
	_ =	swait.ge [sflag:s4], $0x0  }
0x19: {  	s7 =	sld [smem:$0x3F99]  }
0x1a: {  	s8 =	sadd.s32 $0xFFFFE003, lr  }
0x1b: {  	s9 =	sadd.s32 $0xFFFFFEF7, lr;
	s5 =	simm.s32 $0xFFFFFFFF;
	p2 =	slt.u32 s8, $0xFFFFF086  }
0x1c: {  	p1 =	slt.u32 s9, $0xF7A;
	s5 =	simm.s32 @!p2 $0x0  }
0x1d: {  	s5 =	simm.s32 @p1 $0x1;
	p0 =	seq.s32 s7, s2  }
0x1e: {  	s7 =	smul.u32 @!p0 $0xF7A, s2;
	p2 =	seq.s32 @!p0 s5, $0x0  }
0x1f: {  	s9 =	smul.u32 $0xF7A, s1;
	s8 =	simm.s32 @!p0 $0x1BF5;
	p2 =	por !p2, p0  }
0x20: {  	[sflag:s8] =	ssyncset.s32 @!p0 $0xFFFFF086;
	s6 =	sadd.s32 @!p0 s3, s7;
	s7 =	simm.s32 @!p0 $0x108  }
0x21: {  	s3 =	sadd.s32 s3, s9;
	s6 =	sadd.s32 @!p0 $0x88, s6;
	s7 =	simm.s32 @p2 $0x1082  }
0x22: {  	[simem:s7], [sflag:s8] =	dma.local @!p0 [hbm:s6], $0xF7A  }
0x23: {  	s9 =	sor.u32 $0xD0000000, s2;
	s6 =	simm.s32 $0x108;
	_ =	swait.ge @!p0 [sflag:s8], $0x0  }
0x24: {  	s3 =	sadd.s32 $0x88, s3;
	s6 =	simm.s32 @!p1 $0x1082;
	[sflag:s4] =	ssyncset.s32 $0xFFFFF086  }
0x25: {  	[simem:s6], [sflag:s4] =	dma.local [hbm:s3], $0xF7A  }
0x26: {  	[smem:$0x3F99] =	sst s1;
	(tag) =	ssettag s2;
	_ =	strace s9  }
0x27: {  	s1 =	sld [smem:$0x3FA9]  }
0x28: {  	s2 =	sld [smem:$0x3FAA]  }
0x29: {  	s4 =	sld [smem:$0x3FAC]  }
0x2a: {  	p0 =	seq.s32 s5, $0x0;
	s5 =	sld [smem:$0x3FAD]  }
0x2b: {  	s6 =	sld [smem:$0x3FAE]  }
0x2c: {  	s7 =	sld [smem:$0x3FAF]  }
0x2d: {  	s3 =	simm.s32 $0x108;
	s8 =	sld [smem:$0x3FB0]  }
0x2e: {  	s3 =	simm.s32 @!p0 $0x1082;
	s9 =	sld [smem:$0x3FB1]  }
0x2f: {  	lr =	sadd.s32 s0, s3;
	s0 =	sld [smem:$0x3FA8]  }
0x30: {  	s3 =	sld [smem:$0x3FAB]  }
0x31: {  	[smem:$0x3FB4] =	sst s10  }
0x32: {  	s10 =	sld [smem:$0x3FB2];
	_ =	sdelay $0x3  }
0x33: {  	p0 =	seq.s32 s10, $0x1;
	s10 =	sld [smem:$0x3FB4];
	_ =	sdelay $0x3  }
0x34: {  	[smem:$0x3FB4] =	sst s10  }
0x35: {  	s10 =	sld [smem:$0x3FB3];
	_ =	sdelay $0x3  }
0x36: {  	p1 =	seq.s32 s10, $0x1;
	s10 =	sld [smem:$0x3FB4];
	_ =	sdelay $0x3  }
0x37: {  	[smem:$0x3FB4] =	sst s10  }
0x38: {  	s10 =	sld [smem:$0x3FB5]  }
0x39: {  	_ = 	snop;
	(pc) =	sbr.ind lr, $3  }
0x3a: {  	_ = 	snop  }
0x3b: {  	_ = 	snop  }
0x3c: {  	p2 =	seq.s32 s10, $0x1;
	s10 =	sld [smem:$0x3FB4]  }
0x3d: {  	_ =	shalt  }
0x3e: {  	_ =	shalt  }
0x3f: {  	_ =	shalt  }
0x40: {  	_ =	shalt  }
0x41: {  	_ =	shalt  }
0x42: {  	_ =	shalt  }
0x43: {  	_ =	shalt  }
0x44: {  	_ =	shalt  }
0x45: {  	_ =	shalt  }
0x46: {  	_ =	shalt  }
0x47: {  	_ =	shalt  }
0x48: {  	_ =	shalt  }
0x49: {  	_ =	shalt  }
0x4a: {  	_ =	shalt  }
0x4b: {  	_ =	shalt  }
0x4c: {  	_ =	shalt  }
0x4d: {  	_ =	shalt  }
0x4e: {  	_ =	shalt  }
0x4f: {  	_ =	shalt  }
0x50: {  	_ =	shalt  }
0x51: {  	_ =	shalt  }
0x52: {  	_ =	shalt  }
0x53: {  	_ =	shalt  }
0x54: {  	_ =	shalt  }
0x55: {  	_ =	shalt  }
0x56: {  	_ =	shalt  }
0x57: {  	_ =	shalt  }
0x58: {  	_ =	shalt  }
0x59: {  	_ =	shalt  }
0x5a: {  	_ =	shalt  }
0x5b: {  	_ =	shalt  }
0x5c: {  	_ =	shalt  }
0x5d: {  	_ =	shalt  }
0x5e: {  	_ =	shalt  }
0x5f: {  	_ =	shalt  }
0x60: {  	_ =	shalt  }
0x61: {  	_ =	shalt  }
0x62: {  	_ =	shalt  }
0x63: {  	_ =	shalt  }
0x64: {  	_ =	shalt  }
0x65: {  	_ =	shalt  }
0x66: {  	_ =	shalt  }
0x67: {  	_ =	shalt  }
0x68: {  	_ =	shalt  }
0x69: {  	_ =	shalt  }
0x6a: {  	_ =	shalt  }
0x6b: {  	_ =	shalt  }
0x6c: {  	_ =	shalt  }
0x6d: {  	_ =	shalt  }
0x6e: {  	_ =	shalt  }
0x6f: {  	_ =	shalt  }
0x70: {  	_ =	shalt  }
0x71: {  	_ =	shalt  }
0x72: {  	_ =	shalt  }
0x73: {  	_ =	shalt  }
0x74: {  	_ =	shalt  }
0x75: {  	_ =	shalt  }
0x76: {  	_ =	shalt  }
0x77: {  	_ =	shalt  }
0x78: {  	_ =	shalt  }
0x79: {  	_ =	shalt  }
0x7a: {  	_ =	shalt  }
0x7b: {  	_ =	shalt  }
0x7c: {  	_ =	shalt  }
0x7d: {  	_ =	shalt  }
0x7e: {  	_ =	shalt  }
0x7f: {  	_ =	shalt  }
0x80: {  	_ =	shalt  }
0x81: {  	_ =	shalt  }
0x82: {  	_ =	shalt  }
0x83: {  	_ =	shalt  }
0x84: {  	_ =	shalt  }
0x85: {  	_ =	shalt  }
0x86: {  	_ =	shalt  }
0x87: {  	_ =	shalt  }
.Lfunc_end0:
.L_simem_size_0:
called_computation.2_lowered:
.L_overlay_start_0:
0x88: {  	s2 =	sld [smem:$0x3FD9]  }
0x89: {  	s3 =	sld [smem:$0x3FFE];
	_ =	sdelay $0x1  }
0x8a: {  	s1 =	srdreg.scid  }
0x8b: {  	s0 =	sand.u32 $0x1, s1  }
0x8c: {  	s16 =	sshll.u32 s0, $0xA;
	s2 =	sadd.s32 s3, s2  }
0x8d: {  	s2 =	sadd.s32 s2, s16  }
0x8e: {  	[smem:$0x3FC0] =	sst s2  }
0x8f: {  	_ = 	snop  }
0x90: {  	(tm) =	ssettm $0x1  }
0x91: {  	s17 =	sld [smem:$0x3FFB];
	_ =	sdelay $0x3  }
0x92: {  	_ =	strace s17  }
0x93: {  	s2 =	sld [smem:$0x3FFC];
	_ =	sdelay $0x3  }
0x94: {  	_ =	strace s2  }
0x95: {  	s2 =	sld [smem:$0x3FFD];
	_ =	sdelay $0x3  }
0x96: {  	_ =	strace s2  }
0x97: {  	_ =	strace $0x8FFFFFFF  }
0x98: {  	s18 =	sld [smem:$0x3FDB];
	_ =	sdelay $0x1  }
0x99: {  	s19 =	simm.s32 $_scs_section_size  }
0x9a: {  	s4 =	simm.s32 $_size__tile_overlayer_lowered;
	s5 =	simm.s32 $_tile_overlayer_lowered  }
0x9b: {  	s22 =	simm.s32 $0x1BFF;
	s21 =	sshll.u32 s5, $0x1;
	s2 =	sadd.s32 s19, s18  }
0x9c: {  	s6 =	simm.s32 $0x0;
	s20 =	sshll.u32 s4, $0x1;
	s4 =	sadd.s32 s21, s2  }
0x9d: {  	[timem:s6], [sflag:s22] =	dma.local [hbm:s4], s20  }
0x9e: {  	_ =	swait.ge [sflag:s22], s20  }
0x9f: {  	s3 =	ssub.s32 $0x0, s20;
	[sflag:s22] =	ssyncset.done $0x0  }
0xa0: {  	[sflag:s22] =	ssyncadd.s32 s3;
	_ =	sdelay $0x1  }
0xa1: {  	s23 =	simm.s32 $0x1B8B  }
0xa2: {  	_ =	swait.ge [sflag:s23], $0x1  }
0xa3: {  	[sflag:s23] =	ssyncset.done $0x0  }
0xa4: {  	s25 =	simm.s32 $0x1B8E;
	s24 =	sld [smem:$0x3FFE];
	[sflag:s23] =	ssyncadd.s32 $0xFFFFFFFF  }
0xa5: {  	s26 =	simm.s32 $execute0_lowered;
	[smem:$0x3FD2] =	sst s25  }
0xa6: {  	s4 =	sshll.u32 s26, $0x1;
	_ =	strace $0x8000004C;
	[dreg:$0x1] =	wrdreg $0xFFFFFFFF  }
0xa7: {  	s28 =	simm.s32 $_size_execute0_lowered;
	s2 =	sadd.s32 s2, s4;
	[dreg:$0x0] =	wrdreg $0x0  }
0xa8: {  	s4 =	sshll.u32 s28, $0x1;
	[dreg:$0x2] =	wrdreg s2  }
0xa9: {  	[dreg:$0x3] =	wrdreg s4  }
0xaa: {  	[dreg:$0x4] =	wrdreg $0xC0  }
0xab: {  	_ =	task [dreg:s6], $0x5FFFF  }
0xac: {  	[dreg:$0x1] =	wrdreg $0xFFFFFFFF  }
0xad: {  	[dreg:$0x0] =	wrdreg $0x60  }
0xae: {  	[dreg:$0x2] =	wrdreg s24  }
0xaf: {  	[dreg:$0x3] =	wrdreg $0x6F000  }
0xb0: {  	[dreg:$0x4] =	wrdreg $0x9  }
0xb1: {  	_ =	task.clear_ibuf [dreg:s6], $0x5FFFF;
	_ =	strace $0x9000004C  }
0xb2: {  	s29 =	simm.s32 $0x9;
	_ =	strace $0x8000004E  }
0xb3: {  	_ =	swait.ge [sflag:s29], $0x1  }
0xb4: {  	[sflag:s29] =	ssyncadd.s32 $0xFFFFFFFF  }
0xb5: {  	_ =	strace $0x9000004E  }
0xb6: {  	_ =	sfence  }
0xb7: {  	s30 =	sld [smem:$0x0];
	_ =	sdelay $0x2  }
0xb8: {  	s31 =	sshll.u32 s1, $0xD;
	s1 =	sshrl.u32 s1, $0x2  }
0xb9: {  	s3 =	sand.u32 $0x4000, s31;
	s1 =	sadd.s32 s1, s30  }
0xba: {  	s0 =	sor.u32 s3, s0;
	s1 =	sshll.u32 s1, $0x11  }
0xbb: {  	s0 =	sor.u32 s1, s0  }
0xbc: {  	s0 =	sadd.s32 $0x8F2B, s0  }
0xbd: {  	[sflag:s0] =	ssyncadd.remote.s32 $0x1  }
0xbe: {  	_ =	sfence.sel $0xFFFF  }
0xbf: {  	[dreg:$0x0] =	wrdreg $0xFFFFFFFF;
	(pc) =	sbr.abs _section_cstart, $3  }
0xc0: {  	[dreg:$0x1] =	wrdreg $0xFFFFFFFF  }
0xc1: {  	_ =	task.clear_ibuf [dreg:s6], $0x2FFFF;
	_ =	strace $0x9FFFFFFF  }
0xc2: {  	(tm) =	ssettm $0x7FFFFFFF  }
0xc3: {  	_ =	shalt  }
tec
execute0_lowered:
.L_overlay_start_1:
0x0: {  	(tag) =	ssettag $0x1  }
0x1: {  	s6 =	rddreg [dreg:$0x0]  }
0x2: {  	s0 =	srdreg.scid;
	s2 =	rddreg [dreg:$0x1]  }
0x3: {  	s3 =	simm.s32 $0x0;
	s14 =	simm.s32 $0x80;
	s15 =	simm.s32 $0x1  }
0x4: {  	s16 =	simm.s32 $0x4E80;
	s5 =	sand.u32 $0x1, s0;
	s0 =	stileid.u32  }
0x5: {  	s17 =	simm.s32 $0x0;
	[smem:$0x7FF] =	sst s3;
	s8 =	smul.u32 $0x5000, s0  }
0x6: {  	s4 =	sadd.s32 $0x65800, s6;
	s1 =	sshll.u32 s5, $0x4;
	s9 =	smul.u32 $0x50000, s5  }
0x7: {  	s5 =	ssub.s32 $0x2, s5;
	s13 =	sshll.u32 s0, $0x6;
	s1 =	sor.u32 s0, s1  }
0x8: {  	s11 =	sshrl.u32 s5, $0x1;
	s7 =	smul.u32 $0x4F0, s1;
	s1 =	rddreg [dreg:$0x2]  }
0x9: {  	_ =	strace $0x8000004D;
	s9 =	sadd.s32 s8, s9;
	s10 =	sshrl.u32 s8, $0x3  }
0xa: {  	s11 =	ssub.s32 s5, s11;
	s12 =	sadd.s32 s8, s2;
	s9 =	sshrl.u32 s9, $0x3  }
0xb: {  	s10 =	sadd.s32 s10, s6;
	s12 =	sshrl.u32 s12, $0x3;
	s7 =	sadd.s32 s7, s6  }
0xc: {  	s9 =	sadd.s32 s9, s6;
	s5 =	sadd.s32 $0xBA00, s7;
	s6 =	sadd.s32 $0x1C00, s7  }
0xd: {  	s7 =	sadd.s32 $0x6F800, s10;
	s8 =	sadd.s32 $0x79800, s9;
	s9 =	smax.u32 s11, $0x1  }
0xe: {  	s10 =	simm.s32 $0x3;
	s11 =	sor.u32 $0x1C03, s13;
	s13 =	simm.s32 $0x4F00  }
.LBB2_1:
0xf: {  	[tilespmem:s3], [sflag:$0x3] =	stream.linear.gather [hbm4b:s5+s3], $0x2780, $0x38;
	[tilespmem:$0xBF00] =	vst v63  }
0x10: {  	_ =	swait.ge [sflag:s10], $0x2780  }
0x11: {  	[sflag:s10] =	ssyncset.done $0x0  }
0x12: {  	s18 =	simm.s32 $0x2780;
	[sflag:s10] =	ssyncadd.s32 $0xFFFFD880  }
0x13: {  	[tilespmem:s18], [sflag:$0x3] =	stream.linear.gather [hbm4b:s6+s3], $0x2780, $0x38;
	[tilespmem:$0xBF00] =	vst v63  }
0x14: {  	_ =	swait.ge [sflag:s10], $0x2780  }
0x15: {  	[sflag:s10] =	ssyncset.done $0x0  }
0x16: {  	[sflag:s10] =	ssyncadd.s32 $0xFFFFD880  }
0x17: {  	[spmem:s12], [sflag:s11] =	dma.local [hbm:s7], $0xA00  }
0x18: {  	_ =	swait.ge [sflag:s10], $0xA00  }
0x19: {  	[sflag:s10] =	ssyncset.done $0x0  }
0x1a: {  	s19 =	sand.u32 $0x1, s15;
	s20 =	simm.s32 $0x0;
	[sflag:s10] =	ssyncadd.s32 $0xFFFFF600  }
0x1b: {  	s21 =	sshll.u32 s19, $0xC;
	s20 =	sand.u32 $0x1, s20;
	[bflag:$0x0] =	sbarrier.arrive $0xFFFF  }
0x1c: {  	[tilespmem:s13], [sflag:$0x1] =	stream.indirect.gather [hbm4b:s4+s14], $0x20, s3, s14, $0xb8;
	[tilespmem:$0xBF00] =	vst v63  }
0x1d: {  	s19 =	sadd.s32 $0x1, s19;
	s21 =	sor.u32 $0x4F00, s21;
	s22 =	sadd.s32 $0x1, s20  }
0x1e: {  	[tilespmem:s21], [sflag:s19] =	stream.indirect.gather [hbm4b:s4+s14], $0x20, s14, s14, $0xb8;
	[tilespmem:$0xBF00] =	vst v63  }
0x1f: {  	s31 =	sshll.u32 s20, $0xC;
	_ =	swait.ge [sflag:s22], $0x1000  }
0x20: {  	s20 =	simm.s32 $0x2;
	s19 =	sor.u32 $0x4F00, s31;
	[sflag:s22] =	ssyncset.done $0x0  }
0x21: {  	s21 =	simm.s32 $0x3;
	[sflag:s22] =	ssyncadd.s32 $0xFFFFF000;
	s22 =	sand.u32 $0x1, s20  }
0x22: {  	[spmem:s2] =	stream.indirect.scatter.add.f32 [tilespmem:s19], [sflag:$0x3], $0x20, s18, s14, $0xb8;
	[tilespmem:$0xBF00] =	vst v63  }
0x23: {  	s19 =	simm.s32 $0x100;
	s18 =	simm.s32 $0x2800;
	_ =	swait.ge [sflag:s10], $0x1000  }
.LBB2_2:
0x24: {  	s23 =	sadd.s32 $0xFFFFFFFF, s20;
	s24 =	sshll.u32 s22, $0xC  }
0x25: {  	[sflag:s10] =	ssyncset.done $0x0;
	s20 =	smov.u32 s21;
	s22 =	sadd.s32 $0x1, s22  }
0x26: {  	p0 =	sne.s32 s21, $0x4E;
	s23 =	sand.u32 $0x1, s23;
	s24 =	sor.u32 $0x4F00, s24  }
0x27: {  	s25 =	sshll.u32 s23, $0xC;
	s23 =	sadd.s32 $0x1, s23;
	[sflag:s10] =	ssyncadd.s32 $0xFFFFF000  }
0x28: {  	[tilespmem:s24], [sflag:s22] =	stream.indirect.gather [hbm4b:s4+s14], $0x20, s19, s14, $0xb8;
	[tilespmem:$0xBF00] =	vst v63  }
.Ltmp0:
0x29: {  	s24 =	sadd.s32 $0x1, s21;
	_ =	swait.ge [sflag:s23], $0x1000;
	(pc) =	sbr.rel @p0 .LBB2_2-.Ltmp0, $4  }
0x2a: {  	s21 =	sor.u32 $0x4F00, s25;
	[sflag:s23] =	ssyncset.done $0x0  }
0x2b: {  	s19 =	sadd.s32 $0x80, s19;
	s22 =	sand.u32 $0x1, s20;
	[sflag:s23] =	ssyncadd.s32 $0xFFFFF000  }
0x2c: {  	[spmem:s2] =	stream.indirect.scatter.add.f32 [tilespmem:s21], [sflag:$0x3], $0x20, s18, s14, $0xb8;
	[tilespmem:$0xBF00] =	vst v63  }
0x2d: {  	s18 =	sadd.s32 $0x80, s18;
	s21 =	smov.u32 s24;
	_ =	swait.ge [sflag:s10], $0x1000  }
0x2e: {  	s20 =	sadd.s32 $0xFFFFFFFF, s20;
	s21 =	sshll.u32 s22, $0xC  }
0x2f: {  	[sflag:s10] =	ssyncset.done $0x0;
	s30 =	sadd.s32 $0x1, s22;
	s20 =	sand.u32 $0x1, s20  }
0x30: {  	s21 =	sor.u32 $0x4F00, s21;
	[sflag:s10] =	ssyncadd.s32 $0xFFFFF000;
	s23 =	sadd.s32 $0x1, s20  }
0x31: {  	[tilespmem:s21], [sflag:s30] =	stream.indirect.gather [hbm4b:s4+s14], $0x20, s19, s14, $0xb8;
	[tilespmem:$0xBF00] =	vst v63  }
0x32: {  	_ =	swait.ge [sflag:s23], $0x1000  }
0x33: {  	s31 =	sshll.u32 s20, $0xC;
	[sflag:s23] =	ssyncset.done $0x0  }
0x34: {  	s19 =	sor.u32 $0x4F00, s31;
	[sflag:s23] =	ssyncadd.s32 $0xFFFFF000  }
0x35: {  	[spmem:s2] =	stream.indirect.scatter.add.f32 [tilespmem:s19], [sflag:$0x3], $0x20, s18, s14, $0xb8;
	[tilespmem:$0xBF00] =	vst v63  }
0x36: {  	_ =	swait.ge [sflag:s10], $0x1000  }
0x37: {  	[sflag:s10] =	ssyncset.done $0x0  }
0x38: {  	[sflag:s10] =	ssyncadd.s32 $0xFFFFF000  }
0x39: {  	_ =	swait.ge [sflag:s15], $0x1000  }
0x3a: {  	[sflag:s15] =	ssyncset.done $0x0  }
0x3b: {  	[sflag:s15] =	ssyncadd.s32 $0xFFFFF000  }
0x3c: {  	[spmem:s2] =	stream.indirect.scatter.add.f32 [tilespmem:s13], [sflag:$0x3], $0x20, s16, s14, $0xb8;
	[tilespmem:$0xBF00] =	vst v63  }
0x3d: {  	_ =	swait.ge [sflag:s10], $0x1000  }
0x3e: {  	s17 =	sadd.s32 $0x1, s17;
	[sflag:s10] =	ssyncset.done $0x0  }
0x3f: {  	p0 =	sne.s32 s17, s9;
	[sflag:s10] =	ssyncadd.s32 $0xFFFFF000  }
.Ltmp1:
0x40: {  	[bflag:$0x0] =	sbarrier.arrive $0xFFFF;
	(pc) =	sbr.rel @p0 .LBB2_1-.Ltmp1, $4  }
0x41: {  	[hbm:s8], [sflag:s11] =	dma.local [spmem:s12], $0xA00  }
0x42: {  	_ =	swait.ge [sflag:s10], $0xA00  }
0x43: {  	[sflag:s10] =	ssyncset.done $0x0  }
0x44: {  	[sflag:s10] =	ssyncadd.s32 $0xFFFFF600  }
0x45: {  	_ =	sfence.sel $0x180000  }
0x46: {  	[bflag:$0x0] =	sbarrier.arrive $0xFFFF  }
0x47: {  	p0 =	sne.s32 s0, $0x0;
	_ =	strace $0x9000004D  }
0x48: {  	s0 =	sadd.s32 @!p0 $0x100000, s1;
	[bflag:$0x2] =	sbarrier.arrive $0xFFFF  }
0x49: {  	[sflag:s0] =	ssyncadd.tile.s32 @!p0 $0x1;
	_ =	shalt  }
.Lfunc_end2:
_tile_overlayer_lowered:
.L_overlay_start_2:
0x4a: {  	(tag) =	ssettag $0x2  }
0x4b: {  	s0 =	rddreg [dreg:$0x0];
	s2 =	stileid.u32  }
0x4c: {  	s1 =	rddreg [dreg:$0x1];
	p0 =	sne.s32 s2, $0x0  }
0x4d: {  	s3 =	rddreg [dreg:$0x2];
	[bflag:$0x3] =	sbarrier.arrive $0xFFFF;
	s2 =	simm.s32 @!p0 $0x1C03  }
0x4e: {  	[timem:s3], [sflag:s2] =	dma.local @!p0 [hbm:s0], s1  }
0x4f: {  	s0 =	simm.s32 @!p0 $0x3  }
0x50: {  	_ =	swait.ge @!p0 [sflag:s0], s1  }
0x51: {  	s1 =	ssub.s32 @!p0 $0x0, s1;
	[sflag:s0] =	ssyncset.done @!p0 $0x0  }
0x52: {  	[sflag:s0] =	ssyncadd.s32 @!p0 s1  }
0x53: {  	[bflag:$0x3] =	sbarrier.arrive $0xFFFF  }
0x54: {  	_ =	shalt  }

// kernel: kernel.8.cloned.1.call-start
scs
__scs_entry_jumppad:
0x0: {  	(pc) =	sbr.rel $0x88, $3  }
0x1: {  	(tag) =	ssettag $0x0;
	lr =	simm.s32 $0x1  }
0x2: {  	[smem:$0x3F99] =	sst lr;
	_ =	strace $0xD0000000  }
0x3: {  	_ = 	snop  }
0x4: {  	_ = 	snop  }
0x5: {  	_ = 	snop  }
0x6: {  	_ = 	snop  }
0x7: {  	_ = 	snop  }
__scs_overlays_trampoline_lowered:
0x8: {  	[smem:$0x3FA8] =	sst s0  }
0x9: {  	[smem:$0x3FA9] =	sst s1  }
0xa: {  	[smem:$0x3FAA] =	sst s2  }
0xb: {  	[smem:$0x3FAB] =	sst s3  }
0xc: {  	[smem:$0x3FAC] =	sst s4  }
0xd: {  	[smem:$0x3FAD] =	sst s5  }
0xe: {  	[smem:$0x3FAE] =	sst s6  }
0xf: {  	[smem:$0x3FAF] =	sst s7  }
0x10: {  	[smem:$0x3FB0] =	sst s8  }
0x11: {  	[smem:$0x3FB1] =	sst s9;
	s0 =	simm.s32 @!p0 $0x0  }
0x12: {  	s1 =	sld [smem:$0x3F97];
	s0 =	simm.s32 @p0 $0x1  }
0x13: {  	[smem:$0x3FB2] =	sst s0;
	s0 =	simm.s32 @!p1 $0x0  }
0x14: {  	s2 =	sld [smem:$0x3F96];
	s0 =	simm.s32 @p1 $0x1  }
0x15: {  	[smem:$0x3FB3] =	sst s0;
	s0 =	simm.s32 @!p2 $0x0  }
0x16: {  	s3 =	sld [smem:$0x3FDB];
	s0 =	simm.s32 @p2 $0x1  }
0x17: {  	s4 =	simm.s32 $0x1BF5;
	[smem:$0x3FB5] =	sst s0  }
0x18: {  	s0 =	sld [smem:$0x3F98];
	_ =	swait.ge [sflag:s4], $0x0  }
0x19: {  	s7 =	sld [smem:$0x3F99]  }
0x1a: {  	s8 =	sadd.s32 $0xFFFFE003, lr  }
0x1b: {  	s9 =	sadd.s32 $0xFFFFFEF7, lr;
	s5 =	simm.s32 $0xFFFFFFFF;
	p2 =	slt.u32 s8, $0xFFFFF086  }
0x1c: {  	p1 =	slt.u32 s9, $0xF7A;
	s5 =	simm.s32 @!p2 $0x0  }
0x1d: {  	s5 =	simm.s32 @p1 $0x1;
	p0 =	seq.s32 s7, s2  }
0x1e: {  	s7 =	smul.u32 @!p0 $0xF7A, s2;
	p2 =	seq.s32 @!p0 s5, $0x0  }
0x1f: {  	s9 =	smul.u32 $0xF7A, s1;
	s8 =	simm.s32 @!p0 $0x1BF5;
	p2 =	por !p2, p0  }
0x20: {  	[sflag:s8] =	ssyncset.s32 @!p0 $0xFFFFF086;
	s6 =	sadd.s32 @!p0 s3, s7;
	s7 =	simm.s32 @!p0 $0x108  }
0x21: {  	s3 =	sadd.s32 s3, s9;
	s6 =	sadd.s32 @!p0 $0x88, s6;
	s7 =	simm.s32 @p2 $0x1082  }
0x22: {  	[simem:s7], [sflag:s8] =	dma.local @!p0 [hbm:s6], $0xF7A  }
0x23: {  	s9 =	sor.u32 $0xD0000000, s2;
	s6 =	simm.s32 $0x108;
	_ =	swait.ge @!p0 [sflag:s8], $0x0  }
0x24: {  	s3 =	sadd.s32 $0x88, s3;
	s6 =	simm.s32 @!p1 $0x1082;
	[sflag:s4] =	ssyncset.s32 $0xFFFFF086  }
0x25: {  	[simem:s6], [sflag:s4] =	dma.local [hbm:s3], $0xF7A  }
0x26: {  	[smem:$0x3F99] =	sst s1;
	(tag) =	ssettag s2;
	_ =	strace s9  }
0x27: {  	s1 =	sld [smem:$0x3FA9]  }
0x28: {  	s2 =	sld [smem:$0x3FAA]  }
0x29: {  	s4 =	sld [smem:$0x3FAC]  }
0x2a: {  	p0 =	seq.s32 s5, $0x0;
	s5 =	sld [smem:$0x3FAD]  }
0x2b: {  	s6 =	sld [smem:$0x3FAE]  }
0x2c: {  	s7 =	sld [smem:$0x3FAF]  }
0x2d: {  	s3 =	simm.s32 $0x108;
	s8 =	sld [smem:$0x3FB0]  }
0x2e: {  	s3 =	simm.s32 @!p0 $0x1082;
	s9 =	sld [smem:$0x3FB1]  }
0x2f: {  	lr =	sadd.s32 s0, s3;
	s0 =	sld [smem:$0x3FA8]  }
0x30: {  	s3 =	sld [smem:$0x3FAB]  }
0x31: {  	[smem:$0x3FB4] =	sst s10  }
0x32: {  	s10 =	sld [smem:$0x3FB2];
	_ =	sdelay $0x3  }
0x33: {  	p0 =	seq.s32 s10, $0x1;
	s10 =	sld [smem:$0x3FB4];
	_ =	sdelay $0x3  }
0x34: {  	[smem:$0x3FB4] =	sst s10  }
0x35: {  	s10 =	sld [smem:$0x3FB3];
	_ =	sdelay $0x3  }
0x36: {  	p1 =	seq.s32 s10, $0x1;
	s10 =	sld [smem:$0x3FB4];
	_ =	sdelay $0x3  }
0x37: {  	[smem:$0x3FB4] =	sst s10  }
0x38: {  	s10 =	sld [smem:$0x3FB5]  }
0x39: {  	_ = 	snop;
	(pc) =	sbr.ind lr, $3  }
0x3a: {  	_ = 	snop  }
0x3b: {  	_ = 	snop  }
0x3c: {  	p2 =	seq.s32 s10, $0x1;
	s10 =	sld [smem:$0x3FB4]  }
0x3d: {  	_ =	shalt  }
0x3e: {  	_ =	shalt  }
0x3f: {  	_ =	shalt  }
0x40: {  	_ =	shalt  }
0x41: {  	_ =	shalt  }
0x42: {  	_ =	shalt  }
0x43: {  	_ =	shalt  }
0x44: {  	_ =	shalt  }
0x45: {  	_ =	shalt  }
0x46: {  	_ =	shalt  }
0x47: {  	_ =	shalt  }
0x48: {  	_ =	shalt  }
0x49: {  	_ =	shalt  }
0x4a: {  	_ =	shalt  }
0x4b: {  	_ =	shalt  }
0x4c: {  	_ =	shalt  }
0x4d: {  	_ =	shalt  }
0x4e: {  	_ =	shalt  }
0x4f: {  	_ =	shalt  }
0x50: {  	_ =	shalt  }
0x51: {  	_ =	shalt  }
0x52: {  	_ =	shalt  }
0x53: {  	_ =	shalt  }
0x54: {  	_ =	shalt  }
0x55: {  	_ =	shalt  }
0x56: {  	_ =	shalt  }
0x57: {  	_ =	shalt  }
0x58: {  	_ =	shalt  }
0x59: {  	_ =	shalt  }
0x5a: {  	_ =	shalt  }
0x5b: {  	_ =	shalt  }
0x5c: {  	_ =	shalt  }
0x5d: {  	_ =	shalt  }
0x5e: {  	_ =	shalt  }
0x5f: {  	_ =	shalt  }
0x60: {  	_ =	shalt  }
0x61: {  	_ =	shalt  }
0x62: {  	_ =	shalt  }
0x63: {  	_ =	shalt  }
0x64: {  	_ =	shalt  }
0x65: {  	_ =	shalt  }
0x66: {  	_ =	shalt  }
0x67: {  	_ =	shalt  }
0x68: {  	_ =	shalt  }
0x69: {  	_ =	shalt  }
0x6a: {  	_ =	shalt  }
0x6b: {  	_ =	shalt  }
0x6c: {  	_ =	shalt  }
0x6d: {  	_ =	shalt  }
0x6e: {  	_ =	shalt  }
0x6f: {  	_ =	shalt  }
0x70: {  	_ =	shalt  }
0x71: {  	_ =	shalt  }
0x72: {  	_ =	shalt  }
0x73: {  	_ =	shalt  }
0x74: {  	_ =	shalt  }
0x75: {  	_ =	shalt  }
0x76: {  	_ =	shalt  }
0x77: {  	_ =	shalt  }
0x78: {  	_ =	shalt  }
0x79: {  	_ =	shalt  }
0x7a: {  	_ =	shalt  }
0x7b: {  	_ =	shalt  }
0x7c: {  	_ =	shalt  }
0x7d: {  	_ =	shalt  }
0x7e: {  	_ =	shalt  }
0x7f: {  	_ =	shalt  }
0x80: {  	_ =	shalt  }
0x81: {  	_ =	shalt  }
0x82: {  	_ =	shalt  }
0x83: {  	_ =	shalt  }
0x84: {  	_ =	shalt  }
0x85: {  	_ =	shalt  }
0x86: {  	_ =	shalt  }
0x87: {  	_ =	shalt  }
.Lfunc_end0:
.L_simem_size_0:
called_computation_lowered:
.L_overlay_start_0:
0x88: {  	s2 =	sld [smem:$0x3FD9]  }
0x89: {  	s3 =	sld [smem:$0x3FFE];
	_ =	sdelay $0x1  }
0x8a: {  	s1 =	srdreg.scid  }
0x8b: {  	s0 =	sand.u32 $0x1, s1  }
0x8c: {  	s17 =	sshll.u32 s0, $0xA;
	s2 =	sadd.s32 s3, s2  }
0x8d: {  	s2 =	sadd.s32 s2, s17  }
0x8e: {  	[smem:$0x3FC0] =	sst s2  }
0x8f: {  	_ = 	snop  }
0x90: {  	s2 =	sld [smem:$0x3FD0];
	(tm) =	ssettm $0x1  }
0x91: {  	s18 =	sld [smem:$0x3FFB];
	_ =	sdelay $0x3  }
0x92: {  	_ =	strace s18  }
0x93: {  	s3 =	sld [smem:$0x3FFC];
	_ =	sdelay $0x3  }
0x94: {  	_ =	strace s3  }
0x95: {  	s3 =	sld [smem:$0x3FFD];
	_ =	sdelay $0x3  }
0x96: {  	_ =	strace s3  }
0x97: {  	_ =	strace $0x8FFFFFFF  }
0x98: {  	s19 =	sld [smem:$0x3FDB];
	_ =	sdelay $0x1  }
0x99: {  	s4 =	simm.s32 $_scs_section_size  }
0x9a: {  	s5 =	simm.s32 $_size__tile_overlayer_lowered;
	s6 =	simm.s32 $_tile_overlayer_lowered  }
0x9b: {  	s22 =	simm.s32 $0x1BFF;
	s21 =	sshll.u32 s6, $0x1;
	s3 =	sadd.s32 s4, s19  }
0x9c: {  	s7 =	simm.s32 $0x0;
	s20 =	sshll.u32 s5, $0x1;
	s5 =	sadd.s32 s21, s3  }
0x9d: {  	[timem:s7], [sflag:s22] =	dma.local [hbm:s5], s20  }
0x9e: {  	_ =	swait.ge [sflag:s22], s20  }
0x9f: {  	s4 =	ssub.s32 $0x0, s20;
	[sflag:s22] =	ssyncset.done $0x0  }
0xa0: {  	[sflag:s22] =	ssyncadd.s32 s4;
	_ =	sdelay $0x1  }
0xa1: {  	s23 =	simm.s32 $0x1B8B  }
0xa2: {  	_ =	swait.ge [sflag:s23], $0x1  }
0xa3: {  	[sflag:s23] =	ssyncset.done $0x0  }
0xa4: {  	s25 =	simm.s32 $0x1B8E;
	s24 =	sld [smem:$0x3FFE];
	[sflag:s23] =	ssyncadd.s32 $0xFFFFFFFF  }
0xa5: {  	s26 =	simm.s32 $execute0_lowered;
	[smem:$0x3FD2] =	sst s25  }
0xa6: {  	s5 =	sshll.u32 s26, $0x1;
	_ =	strace $0x80000046;
	[dreg:$0x1] =	wrdreg $0xFFFFFFFF  }
0xa7: {  	s28 =	simm.s32 $_size_execute0_lowered;
	s3 =	sadd.s32 s3, s5;
	[dreg:$0x0] =	wrdreg $0x0  }
0xa8: {  	s5 =	sshll.u32 s28, $0x1;
	[dreg:$0x2] =	wrdreg s3  }
0xa9: {  	[dreg:$0x3] =	wrdreg s5  }
0xaa: {  	[dreg:$0x4] =	wrdreg $0xC0  }
0xab: {  	_ =	task [dreg:s7], $0x5FFFF  }
0xac: {  	[dreg:$0x1] =	wrdreg $0xFFFFFFFF  }
0xad: {  	[dreg:$0x0] =	wrdreg $0x60  }
0xae: {  	[dreg:$0x2] =	wrdreg s24  }
0xaf: {  	[dreg:$0x3] =	wrdreg s2  }
0xb0: {  	[dreg:$0x4] =	wrdreg $0x57000  }
0xb1: {  	[dreg:$0x5] =	wrdreg $0x9  }
0xb2: {  	_ =	task.clear_ibuf [dreg:s7], $0x6FFFF;
	_ =	strace $0x90000046  }
0xb3: {  	s29 =	simm.s32 $0x9;
	_ =	strace $0x80000048  }
0xb4: {  	_ =	swait.ge [sflag:s29], $0x1  }
0xb5: {  	[sflag:s29] =	ssyncadd.s32 $0xFFFFFFFF  }
0xb6: {  	_ =	strace $0x90000048  }
0xb7: {  	_ =	sfence  }
0xb8: {  	s30 =	sld [smem:$0x0];
	_ =	sdelay $0x2  }
0xb9: {  	s31 =	sshll.u32 s1, $0xD;
	s1 =	sshrl.u32 s1, $0x2  }
0xba: {  	s3 =	sand.u32 $0x4000, s31;
	s1 =	sadd.s32 s1, s30  }
0xbb: {  	s0 =	sor.u32 s3, s0;
	s1 =	sshll.u32 s1, $0x11  }
0xbc: {  	s0 =	sor.u32 s1, s0  }
0xbd: {  	s0 =	sadd.s32 $0x8F2B, s0  }
0xbe: {  	[sflag:s0] =	ssyncadd.remote.s32 $0x1  }
0xbf: {  	_ =	sfence.sel $0xFFFF  }
0xc0: {  	[dreg:$0x0] =	wrdreg $0xFFFFFFFF;
	(pc) =	sbr.abs _section_cstart, $3  }
0xc1: {  	[dreg:$0x1] =	wrdreg $0xFFFFFFFF  }
0xc2: {  	_ =	task.clear_ibuf [dreg:s7], $0x2FFFF;
	_ =	strace $0x9FFFFFFF  }
0xc3: {  	(tm) =	ssettm $0x7FFFFFFF  }
tec
execute0_lowered:
.L_overlay_start_1:
0x0: {  	(tag) =	ssettag $0x1  }
0x1: {  	s6 =	rddreg [dreg:$0x0]  }
0x2: {  	s0 =	srdreg.scid;
	s2 =	rddreg [dreg:$0x1]  }
0x3: {  	s3 =	rddreg [dreg:$0x2];
	s4 =	simm.s32 $0x0;
	s12 =	simm.s32 $0x4F00  }
0x4: {  	s15 =	simm.s32 $0x80;
	s5 =	sand.u32 $0x1, s0;
	s0 =	stileid.u32  }
0x5: {  	s16 =	simm.s32 $0x5300;
	s17 =	simm.s32 $0x0;
	s8 =	smul.u32 $0x1400, s0  }
0x6: {  	[smem:$0x7FF] =	sst s4;
	s1 =	sshll.u32 s5, $0x4;
	s9 =	smul.u32 $0x14000, s5  }
0x7: {  	s5 =	ssub.s32 $0x2, s5;
	s13 =	sshll.u32 s0, $0x6;
	s1 =	sor.u32 s0, s1  }
0x8: {  	s11 =	sshrl.u32 s5, $0x1;
	s13 =	sor.u32 $0x1C01, s13;
	s7 =	smul.u32 $0x4F0, s1  }
0x9: {  	s1 =	rddreg [dreg:$0x3];
	_ =	strace $0x80000047;
	s9 =	sadd.s32 s8, s9  }
0xa: {  	s10 =	sshrl.u32 s8, $0x3;
	s11 =	ssub.s32 s5, s11;
	s14 =	sadd.s32 s8, s3  }
0xb: {  	s9 =	sshrl.u32 s9, $0x3;
	s10 =	sadd.s32 s10, s6;
	s7 =	sadd.s32 s7, s6  }
0xc: {  	s14 =	sshrl.u32 s14, $0x3;
	s9 =	sadd.s32 s9, s6;
	s5 =	sadd.s32 $0xBA00, s7  }
0xd: {  	s6 =	sadd.s32 $0x1C00, s7;
	s7 =	sadd.s32 $0x15800, s10;
	s8 =	sadd.s32 $0x18000, s9  }
0xe: {  	s9 =	smax.u32 s11, $0x1;
	s10 =	simm.s32 $0x1;
	s11 =	simm.s32 $0x2780  }
.LBB2_1:
0xf: {  	[tilespmem:s4], [sflag:$0x1] =	stream.linear.gather [hbm4b:s5+s4], $0x2780, $0x38;
	[tilespmem:$0x6B00] =	vst v63  }
0x10: {  	_ =	swait.ge [sflag:s10], $0x2780  }
0x11: {  	[sflag:s10] =	ssyncset.done $0x0  }
0x12: {  	[sflag:s10] =	ssyncadd.s32 $0xFFFFD880  }
0x13: {  	[tilespmem:s11], [sflag:$0x1] =	stream.linear.gather [hbm4b:s6+s4], $0x2780, $0x38;
	[tilespmem:$0x6B00] =	vst v63  }
0x14: {  	_ =	swait.ge [sflag:s10], $0x2780  }
0x15: {  	[sflag:s10] =	ssyncset.done $0x0  }
0x16: {  	[sflag:s10] =	ssyncadd.s32 $0xFFFFD880  }
0x17: {  	[tilespmem:s12], [sflag:$0x1] =	stream.linear.gather [hbm4b:s2+s4], $0x800, $0x38;
	[tilespmem:$0x6B00] =	vst v63  }
0x18: {  	_ =	swait.ge [sflag:s10], $0x800  }
0x19: {  	[sflag:s10] =	ssyncset.done $0x0  }
0x1a: {  	[sflag:s10] =	ssyncadd.s32 $0xFFFFF800  }
0x1b: {  	[spmem:s14], [sflag:s13] =	dma.local [hbm:s7], $0x280  }
0x1c: {  	_ =	swait.ge [sflag:s10], $0x280  }
0x1d: {  	[sflag:s10] =	ssyncset.done $0x0  }
0x1e: {  	[sflag:s10] =	ssyncadd.s32 $0xFFFFFD80  }
0x1f: {  	s18 =	simm.s32 $0x0;
	[bflag:$0x0] =	sbarrier.arrive $0xFFFF  }
0x20: {  	[spmem:s3] =	stream.indirect.scatter.add.f32 [tilespmem:s12], [sflag:$0x1], $0x8, s18, s15, $0xb8;
	[tilespmem:$0x6B00] =	vst v63  }
0x21: {  	_ =	swait.ge [sflag:s10], $0x400  }
0x22: {  	[sflag:s10] =	ssyncset.done $0x0  }
0x23: {  	s31 =	simm.s32 $0x2780;
	[sflag:s10] =	ssyncadd.s32 $0xFFFFFC00  }
0x24: {  	[spmem:s3] =	stream.indirect.scatter.add.f32 [tilespmem:s16], [sflag:$0x1], $0x8, s31, s15, $0xb8;
	[tilespmem:$0x6B00] =	vst v63  }
0x25: {  	_ =	swait.ge [sflag:s10], $0x400  }
0x26: {  	s19 =	simm.s32 $0x400;
	s18 =	simm.s32 $0x200;
	[sflag:s10] =	ssyncset.done $0x0  }
.LBB2_2:
0x27: {  	s20 =	sshra.s32 s18, $0x2  }
0x28: {  	[sflag:s10] =	ssyncadd.s32 $0xFFFFFC00;
	s18 =	smov.u32 s19;
	s21 =	sadd.s32 $0x200, s19  }
0x29: {  	[spmem:s3] =	stream.indirect.scatter.add.f32 [tilespmem:s12], [sflag:$0x1], $0x8, s20, s15, $0xb8;
	[tilespmem:$0x6B00] =	vst v63  }
0x2a: {  	p0 =	sne.s32 s19, $0x9C00;
	_ =	swait.ge [sflag:s10], $0x400  }
.Ltmp0:
0x2b: {  	[sflag:s10] =	ssyncset.done $0x0;
	(pc) =	sbr.rel @p0 .LBB2_2-.Ltmp0, $4  }
0x2c: {  	s19 =	sadd.s32 $0x2780, s20;
	[sflag:s10] =	ssyncadd.s32 $0xFFFFFC00  }
0x2d: {  	[spmem:s3] =	stream.indirect.scatter.add.f32 [tilespmem:s16], [sflag:$0x1], $0x8, s19, s15, $0xb8;
	[tilespmem:$0x6B00] =	vst v63  }
0x2e: {  	_ =	swait.ge [sflag:s10], $0x400  }
0x2f: {  	s19 =	smov.u32 s21;
	[sflag:s10] =	ssyncset.done $0x0  }
0x30: {  	s18 =	sshra.s32 s18, $0x2;
	[sflag:s10] =	ssyncadd.s32 $0xFFFFFC00  }
0x31: {  	[spmem:s3] =	stream.indirect.scatter.add.f32 [tilespmem:s12], [sflag:$0x1], $0x8, s18, s15, $0xb8;
	[tilespmem:$0x6B00] =	vst v63  }
0x32: {  	_ =	swait.ge [sflag:s10], $0x400  }
0x33: {  	[sflag:s10] =	ssyncset.done $0x0  }
0x34: {  	s18 =	sadd.s32 $0x2780, s18;
	[sflag:s10] =	ssyncadd.s32 $0xFFFFFC00  }
0x35: {  	[spmem:s3] =	stream.indirect.scatter.add.f32 [tilespmem:s16], [sflag:$0x1], $0x8, s18, s15, $0xb8;
	[tilespmem:$0x6B00] =	vst v63  }
0x36: {  	_ =	swait.ge [sflag:s10], $0x400  }
0x37: {  	s17 =	sadd.s32 $0x1, s17;
	[sflag:s10] =	ssyncset.done $0x0  }
0x38: {  	p0 =	sne.s32 s17, s9;
	[sflag:s10] =	ssyncadd.s32 $0xFFFFFC00  }
.Ltmp1:
0x39: {  	[bflag:$0x0] =	sbarrier.arrive $0xFFFF;
	(pc) =	sbr.rel @p0 .LBB2_1-.Ltmp1, $4  }
0x3a: {  	[hbm:s8], [sflag:s13] =	dma.local [spmem:s14], $0x280  }
0x3b: {  	_ =	swait.ge [sflag:s10], $0x280  }
0x3c: {  	[sflag:s10] =	ssyncset.done $0x0  }
0x3d: {  	[sflag:s10] =	ssyncadd.s32 $0xFFFFFD80  }
0x3e: {  	_ =	sfence.sel $0x180000  }
0x3f: {  	[bflag:$0x0] =	sbarrier.arrive $0xFFFF  }
0x40: {  	p0 =	sne.s32 s0, $0x0;
	_ =	strace $0x90000047  }
0x41: {  	s0 =	sadd.s32 @!p0 $0x100000, s1;
	[bflag:$0x2] =	sbarrier.arrive $0xFFFF  }
0x42: {  	[sflag:s0] =	ssyncadd.tile.s32 @!p0 $0x1;
	_ =	shalt  }
.Lfunc_end2:
_tile_overlayer_lowered:
.L_overlay_start_2:
0x43: {  	(tag) =	ssettag $0x2  }
0x44: {  	s0 =	rddreg [dreg:$0x0];
	s2 =	stileid.u32  }
0x45: {  	s1 =	rddreg [dreg:$0x1];
	p0 =	sne.s32 s2, $0x0  }
0x46: {  	s3 =	rddreg [dreg:$0x2];
	[bflag:$0x3] =	sbarrier.arrive $0xFFFF;
	s2 =	simm.s32 @!p0 $0x1C01  }
0x47: {  	[timem:s3], [sflag:s2] =	dma.local @!p0 [hbm:s0], s1  }
0x48: {  	s0 =	simm.s32 @!p0 $0x1  }
0x49: {  	_ =	swait.ge @!p0 [sflag:s0], s1  }
0x4a: {  	s1 =	ssub.s32 @!p0 $0x0, s1;
	[sflag:s0] =	ssyncset.done @!p0 $0x0  }
0x4b: {  	[sflag:s0] =	ssyncadd.s32 @!p0 s1  }
0x4c: {  	[bflag:$0x3] =	sbarrier.arrive $0xFFFF  }
0x4d: {  	_ =	shalt  }

</sc_bundles>
